<compile_context>
chip_gen: v7x
topology: tpu7x:2x2x1
jax: 0.10.2.dev20260603
libtpu: 0.0.44.dev20260713+nightly
codegen_flags: <defaults>
</compile_context>

<pallas_src>
import jax
import jax.numpy as jnp
from jax import lax
from jax.experimental import pallas as pl
from jax.experimental.pallas import tpu as pltpu
from jax.experimental.pallas import tpu_sc as plsc

NUM_PATCHES = 1025
HIDDEN_DIM = 1280
MAX_NUM_TILES = 4
NUM_TABLE_ROWS = 9
SLAB = NUM_PATCHES * HIDDEN_DIM
PCH = 8
NCHUNK = NUM_PATCHES // PCH
CHUNK = PCH * HIDDEN_DIM
NLG = HIDDEN_DIM // 16
NS = 16


def _sc_body(x_hbm, emb_hbm, tt_hbm, idx_hbm, coef_hbm, out_hbm,
             xb0, tb0, eb0, ob0, xb1, tb1, eb1, ob1,
             idx_v, cbuf, si0, si1, so0, so1, sg0, sg1):
    b = lax.axis_index("c") * NS + lax.axis_index("s")
    pltpu.sync_copy(idx_hbm, idx_v)
    pltpu.sync_copy(coef_hbm, cbuf)
    c0 = cbuf[0]
    c1 = cbuf[1]
    base = pl.multiple_of(idx_v[b][0], 128)
    sets = ((xb0, tb0, eb0, ob0, si0, so0, sg0), (xb1, tb1, eb1, ob1, si1, so1, sg1))

    def start_in(c, xb, tb, eb, si, sg):
        pltpu.async_copy(x_hbm.at[b, pl.ds(PCH * c, PCH)], xb, si)
        pltpu.async_copy(tt_hbm.at[pl.ds(base + c * CHUNK, CHUNK)], tb, sg)
        pltpu.async_copy(emb_hbm.at[pl.ds(PCH * c, PCH)], eb, si)

    def wait_in(c, xb, tb, eb, si, sg):
        pltpu.make_async_copy(x_hbm.at[b, pl.ds(PCH * c, PCH)], xb, si).wait()
        pltpu.make_async_copy(tt_hbm.at[pl.ds(base + c * CHUNK, CHUNK)], tb, sg).wait()
        pltpu.make_async_copy(emb_hbm.at[pl.ds(PCH * c, PCH)], eb, si).wait()

    start_in(0, xb0, tb0, eb0, si0, sg0)
    start_in(1, xb1, tb1, eb1, si1, sg1)

    def outer(g, carry):
        for s in (0, 1):
            xb, tb, eb, ob, si, so, sg = sets[s]
            c = 2 * g + s
            wait_in(c, xb, tb, eb, si, sg)

            @pl.when(c >= 2)
            def _():
                pltpu.make_async_copy(ob, out_hbm.at[b, pl.ds(0, PCH)], so).wait()

            def lanegrp(j, rcarry):
                sl = pl.ds(16 * j, 16)
                for i in range(PCH):
                    tv = tb[pl.ds(i * HIDDEN_DIM + 16 * j, 16)]
                    ob[i, sl] = xb[i, sl] + c0 * eb[i, sl] + c1 * tv
                return rcarry

            lax.fori_loop(0, NLG, lanegrp, 0)
            pltpu.async_copy(ob, out_hbm.at[b, pl.ds(PCH * c, PCH)], so)

            @pl.when(c + 2 < NCHUNK)
            def _():
                start_in(c + 2, xb, tb, eb, si, sg)

        return carry

    lax.fori_loop(0, NCHUNK // 2, outer, 0)
    pltpu.make_async_copy(ob0, out_hbm.at[b, pl.ds(0, PCH)], so0).wait()
    pltpu.make_async_copy(ob1, out_hbm.at[b, pl.ds(0, PCH)], so1).wait()

    last = NUM_PATCHES - 1
    pltpu.sync_copy(x_hbm.at[b, pl.ds(last, 1)], xb0.at[pl.ds(0, 1)])
    pltpu.sync_copy(tt_hbm.at[pl.ds(base + last * HIDDEN_DIM, HIDDEN_DIM)],
                    tb0.at[pl.ds(0, HIDDEN_DIM)])
    pltpu.sync_copy(emb_hbm.at[pl.ds(last, 1)], eb0.at[pl.ds(0, 1)])

    def tail_lanegrp(j, rcarry):
        sl = pl.ds(16 * j, 16)
        ob0[0, sl] = xb0[0, sl] + c0 * eb0[0, sl] + c1 * tb0[pl.ds(16 * j, 16)]
        return rcarry

    lax.fori_loop(0, NLG, tail_lanegrp, 0)
    pltpu.sync_copy(ob0.at[pl.ds(0, 1)], out_hbm.at[b, pl.ds(last, 1)])


def kernel(x, aspect_ratio_ids, tile_indices, embedding, gate, tile_table):
    bt = x.shape[0]
    t = jnp.tanh(gate)[0]
    coef = jnp.stack([jnp.full((16,), 1.0, jnp.float32) - t,
                      jnp.full((16,), 0.0, jnp.float32) + t])
    row_floats = tile_table.shape[1]
    base = (aspect_ratio_ids.astype(jnp.int32) * row_floats
            + tile_indices.astype(jnp.int32) * SLAB)
    idx_mat = jnp.broadcast_to(base[:, None], (bt, NS))
    tt1 = tile_table.reshape(NUM_TABLE_ROWS * MAX_NUM_TILES * SLAB)

    mesh = plsc.VectorSubcoreMesh(core_axis_name="c", subcore_axis_name="s")
    buf = lambda: pltpu.VMEM((PCH, HIDDEN_DIM), jnp.float32)
    tbuf = lambda: pltpu.VMEM((CHUNK,), jnp.float32)
    out = pl.kernel(
        _sc_body,
        out_type=jax.ShapeDtypeStruct((bt, NUM_PATCHES, HIDDEN_DIM), jnp.float32),
        mesh=mesh,
        scratch_types=[
            buf(), tbuf(), buf(), buf(),
            buf(), tbuf(), buf(), buf(),
            pltpu.VMEM((bt, NS), jnp.int32),
            pltpu.VMEM((2, 16), jnp.float32),
            pltpu.SemaphoreType.DMA,
            pltpu.SemaphoreType.DMA,
            pltpu.SemaphoreType.DMA,
            pltpu.SemaphoreType.DMA,
            pltpu.SemaphoreType.DMA,
            pltpu.SemaphoreType.DMA,
        ],
    )(x, embedding, tt1, idx_mat, coef)
    return out

# --- scband reference (transcript-rebuilt; emitter-appended) ---
"""Pipeline reference for scband-gated-positional-embedding-54150947668447 (READ-ONLY COPY).

The authoritative reference and input builder live on the scoring server;
editing this copy changes nothing except your own understanding.
"""

import jax, jax.numpy as jnp
import numpy as np

NUM_PATCHES = 1025
HIDDEN_DIM = 1280
MAX_NUM_TILES = 4
MAX_ASPECT_RATIO_ID = 8
BT = 32


def setup_inputs(seed: int = 0) -> dict:
    key = jax.random.key(seed)
    k1, k2, k3, k4, k5, k6 = jax.random.split(key, 6)
    x = jax.random.normal(k1, (BT, NUM_PATCHES, HIDDEN_DIM), dtype=jnp.float32)
    aspect_ratio_ids = jax.random.randint(k2, (BT,), 0, 9, dtype=jnp.int64) if jax.config.jax_enable_x64 else jax.random.randint(k2, (BT,), 0, 9).astype(jnp.int32)
    tile_indices = jax.random.randint(k3, (BT,), 0, 4).astype(aspect_ratio_ids.dtype)
    embedding = jax.random.normal(k4, (NUM_PATCHES, HIDDEN_DIM), dtype=jnp.float32) * 0.02
    gate = jax.random.normal(k5, (1,), dtype=jnp.float32) * 0.1
    tile_table = jax.random.normal(k6, (MAX_ASPECT_RATIO_ID + 1, MAX_NUM_TILES * NUM_PATCHES * HIDDEN_DIM), dtype=jnp.float32) * 0.02
    return {"x": x, "aspect_ratio_ids": aspect_ratio_ids, "tile_indices": tile_indices, "embedding": embedding, "gate": gate, "tile_table": tile_table}


def reference(x, aspect_ratio_ids, tile_indices, embedding, gate, tile_table):
    # gated positional embedding
    gated_pos_embed = (1.0 - jnp.tanh(gate)) * embedding
    x = x + gated_pos_embed
    # tile embedding lookup (SparseCore gather)
    tile_embedding = jnp.take(tile_table, aspect_ratio_ids, axis=0)
    batch_tiles = x.shape[0]
    tile_embedding = tile_embedding.reshape(batch_tiles, MAX_NUM_TILES, NUM_PATCHES, HIDDEN_DIM)
    indices = tile_indices.reshape(-1, 1, 1, 1)
    tile_embedding = jnp.take_along_axis(tile_embedding, indices, axis=1)
    tile_embedding = jnp.squeeze(tile_embedding, axis=1)
    gated_tile_embed = jnp.tanh(gate) * tile_embedding
    x = x + gated_tile_embed
    return x

if __name__ == "__main__":
    import jax
    _d = setup_inputs()
    print(jax.jit(kernel)(*tuple(_d.values())))

</pallas_src>

<mosaic_0001>
#map = affine_map<(d0, d1) -> (0, 0, 0)>
#map1 = affine_map<(d0, d1) -> (0, 0)>
#map2 = affine_map<(d0, d1) -> (0)>
module attributes {stable_mosaic.version = 14 : i64} {
  func.func @_sc_body(%arg0: i32, %arg1: i32, %arg2: memref<32x1025x1280xf32, #tpu.memory_space<hbm>>, %arg3: memref<1025x1280xf32, #tpu.memory_space<hbm>>, %arg4: memref<47232000xf32, #tpu.memory_space<hbm>>, %arg5: memref<32x16xi32, #tpu.memory_space<hbm>>, %arg6: memref<2x16xf32, #tpu.memory_space<hbm>>, %arg7: memref<32x1025x1280xf32, #tpu.memory_space<hbm>>, %arg8: memref<8x1280xf32, #tpu.memory_space<vmem>>, %arg9: memref<10240xf32, #tpu.memory_space<vmem>>, %arg10: memref<8x1280xf32, #tpu.memory_space<vmem>>, %arg11: memref<8x1280xf32, #tpu.memory_space<vmem>>, %arg12: memref<8x1280xf32, #tpu.memory_space<vmem>>, %arg13: memref<10240xf32, #tpu.memory_space<vmem>>, %arg14: memref<8x1280xf32, #tpu.memory_space<vmem>>, %arg15: memref<8x1280xf32, #tpu.memory_space<vmem>>, %arg16: memref<32x16xi32, #tpu.memory_space<vmem>>, %arg17: memref<2x16xf32, #tpu.memory_space<vmem>>, %arg18: memref<!tpu.dma_semaphore, #tpu.memory_space<semaphore_mem>>, %arg19: memref<!tpu.dma_semaphore, #tpu.memory_space<semaphore_mem>>, %arg20: memref<!tpu.dma_semaphore, #tpu.memory_space<semaphore_mem>>, %arg21: memref<!tpu.dma_semaphore, #tpu.memory_space<semaphore_mem>>, %arg22: memref<!tpu.dma_semaphore, #tpu.memory_space<semaphore_mem>>, %arg23: memref<!tpu.dma_semaphore, #tpu.memory_space<semaphore_mem>>) attributes {dimension_semantics = [#tpu.dimension_semantics<core_parallel>, #tpu.dimension_semantics<subcore_parallel>], iteration_bounds = array<i64: 2, 16>, scalar_prefetch = 0 : i64, scratch_operands = 16 : i64, tpu.core_type = #tpu.core_type<sc_vector_subcore>, window_params = [{transform_indices = #map}, {transform_indices = #map1}, {transform_indices = #map2}, {transform_indices = #map1}, {transform_indices = #map1}, {transform_indices = #map}]} {
    %mul3A = arith.constant 16 : i32
    %mul3A_0 = arith.muli %arg0, %mul3A : i32
    %add3A = arith.addi %mul3A_0, %arg1 : i32
    "tpu.region"() ({
      %run_scoped3A = tpu.sem_alloc : memref<!tpu.dma_semaphore, #tpu.memory_space<semaphore_mem>>
      tpu.enqueue_dma source(%arg5 : memref<32x16xi32, #tpu.memory_space<hbm>>) target(%arg16 : memref<32x16xi32, #tpu.memory_space<vmem>>) target_semaphore(%run_scoped3A : memref<!tpu.dma_semaphore, #tpu.memory_space<semaphore_mem>>)
      tpu.wait_dma2 semaphore(%run_scoped3A : memref<!tpu.dma_semaphore, #tpu.memory_space<semaphore_mem>>) src(%arg5 : memref<32x16xi32, #tpu.memory_space<hbm>>) dst(%arg16 : memref<32x16xi32, #tpu.memory_space<vmem>>)
      tpu.yield
    }) : () -> ()
    "tpu.region"() ({
      %run_scoped3A = tpu.sem_alloc : memref<!tpu.dma_semaphore, #tpu.memory_space<semaphore_mem>>
      tpu.enqueue_dma source(%arg6 : memref<2x16xf32, #tpu.memory_space<hbm>>) target(%arg17 : memref<2x16xf32, #tpu.memory_space<vmem>>) target_semaphore(%run_scoped3A : memref<!tpu.dma_semaphore, #tpu.memory_space<semaphore_mem>>)
      tpu.wait_dma2 semaphore(%run_scoped3A : memref<!tpu.dma_semaphore, #tpu.memory_space<semaphore_mem>>) src(%arg6 : memref<2x16xf32, #tpu.memory_space<hbm>>) dst(%arg17 : memref<2x16xf32, #tpu.memory_space<vmem>>)
      tpu.yield
    }) : () -> ()
    %get3A = arith.constant 0 : i32
    %get3A_1 = arith.index_cast %get3A : i32 to index
    %get3A_2 = arith.constant 0 : index
    %get3A_3 = tpu.vector_load %arg17[%get3A_1, %get3A_2] {strides = array<i32>} : memref<2x16xf32, #tpu.memory_space<vmem>>, vector<1x16xf32>,
    %get3A_4 = vector.shape_cast %get3A_3 : vector<1x16xf32> to vector<16xf32>
    %get3A_5 = arith.constant 1 : i32
    %get3A_6 = arith.index_cast %get3A_5 : i32 to index
    %get3A_7 = arith.constant 0 : index
    %get3A_8 = tpu.vector_load %arg17[%get3A_6, %get3A_7] {strides = array<i32>} : memref<2x16xf32, #tpu.memory_space<vmem>>, vector<1x16xf32>,
    %get3A_9 = vector.shape_cast %get3A_8 : vector<1x16xf32> to vector<16xf32>
    %get3A_10 = arith.index_cast %add3A : i32 to index
    %get3A_11 = arith.constant 0 : index
    %get3A_12 = tpu.vector_load %arg16[%get3A_10, %get3A_11] {strides = array<i32>} : memref<32x16xi32, #tpu.memory_space<vmem>>, vector<1x16xi32>,
    %get3A_13 = vector.shape_cast %get3A_12 : vector<1x16xi32> to vector<16xi32>
    %slice3A = vector.extract_strided_slice %get3A_13 {offsets = [0], sizes = [1], strides = [1]} : vector<16xi32> to vector<1xi32>
    %squeeze3A = vector.extract %slice3A[0] : i32 from vector<1xi32>
    %multiple_of3A = tpu.assume_multiple %squeeze3A, 128 : i32
    %dma_start3A = arith.constant 0 : i32
    %dma_start3A_14 = arith.constant 0 : i32
    %dma_start3A_15 = tpu.memref_slice %arg2[%add3A, %dma_start3A, %dma_start3A_14] : memref<32x1025x1280xf32, #tpu.memory_space<hbm>> -> memref<1x8x1280xf32, #tpu.memory_space<hbm>>
    %dma_start3A_16 = tpu.memref_squeeze %dma_start3A_15 : memref<1x8x1280xf32, #tpu.memory_space<hbm>> -> memref<8x1280xf32, #tpu.memory_space<hbm>>
    %dma_start3A_17 = arith.constant 0 : i32
    %dma_start3A_18 = arith.constant 0 : i32
    %dma_start3A_19 = tpu.memref_slice %arg2[%add3A, %dma_start3A_17, %dma_start3A_18] : memref<32x1025x1280xf32, #tpu.memory_space<hbm>> -> memref<1x8x1280xf32, #tpu.memory_space<hbm>>
    %dma_start3A_20 = tpu.memref_squeeze %dma_start3A_19 : memref<1x8x1280xf32, #tpu.memory_space<hbm>> -> memref<8x1280xf32, #tpu.memory_space<hbm>>
    tpu.enqueue_dma source(%dma_start3A_20 : memref<8x1280xf32, #tpu.memory_space<hbm>>) target(%arg8 : memref<8x1280xf32, #tpu.memory_space<vmem>>) target_semaphore(%arg18 : memref<!tpu.dma_semaphore, #tpu.memory_space<semaphore_mem>>)
    %add3A_21 = arith.constant 0 : i32
    %add3A_22 = arith.addi %multiple_of3A, %add3A_21 : i32
    %dma_start3A_23 = tpu.memref_slice %arg4[%add3A_22] : memref<47232000xf32, #tpu.memory_space<hbm>> -> memref<10240xf32, #tpu.memory_space<hbm>>
    %dma_start3A_24 = tpu.memref_slice %arg4[%add3A_22] : memref<47232000xf32, #tpu.memory_space<hbm>> -> memref<10240xf32, #tpu.memory_space<hbm>>
    tpu.enqueue_dma source(%dma_start3A_24 : memref<10240xf32, #tpu.memory_space<hbm>>) target(%arg9 : memref<10240xf32, #tpu.memory_space<vmem>>) target_semaphore(%arg22 : memref<!tpu.dma_semaphore, #tpu.memory_space<semaphore_mem>>)
    %dma_start3A_25 = arith.constant 0 : i32
    %dma_start3A_26 = arith.constant 0 : i32
    %dma_start3A_27 = tpu.memref_slice %arg3[%dma_start3A_25, %dma_start3A_26] : memref<1025x1280xf32, #tpu.memory_space<hbm>> -> memref<8x1280xf32, #tpu.memory_space<hbm>>
    %dma_start3A_28 = arith.constant 0 : i32
    %dma_start3A_29 = arith.constant 0 : i32
    %dma_start3A_30 = tpu.memref_slice %arg3[%dma_start3A_28, %dma_start3A_29] : memref<1025x1280xf32, #tpu.memory_space<hbm>> -> memref<8x1280xf32, #tpu.memory_space<hbm>>
    tpu.enqueue_dma source(%dma_start3A_30 : memref<8x1280xf32, #tpu.memory_space<hbm>>) target(%arg10 : memref<8x1280xf32, #tpu.memory_space<vmem>>) target_semaphore(%arg18 : memref<!tpu.dma_semaphore, #tpu.memory_space<semaphore_mem>>)
    %dma_start3A_31 = arith.constant 8 : i32
    %dma_start3A_32 = arith.constant 0 : i32
    %dma_start3A_33 = tpu.memref_slice %arg2[%add3A, %dma_start3A_31, %dma_start3A_32] : memref<32x1025x1280xf32, #tpu.memory_space<hbm>> -> memref<1x8x1280xf32, #tpu.memory_space<hbm>>
    %dma_start3A_34 = tpu.memref_squeeze %dma_start3A_33 : memref<1x8x1280xf32, #tpu.memory_space<hbm>> -> memref<8x1280xf32, #tpu.memory_space<hbm>>
    %dma_start3A_35 = arith.constant 8 : i32
    %dma_start3A_36 = arith.constant 0 : i32
    %dma_start3A_37 = tpu.memref_slice %arg2[%add3A, %dma_start3A_35, %dma_start3A_36] : memref<32x1025x1280xf32, #tpu.memory_space<hbm>> -> memref<1x8x1280xf32, #tpu.memory_space<hbm>>
    %dma_start3A_38 = tpu.memref_squeeze %dma_start3A_37 : memref<1x8x1280xf32, #tpu.memory_space<hbm>> -> memref<8x1280xf32, #tpu.memory_space<hbm>>
    tpu.enqueue_dma source(%dma_start3A_38 : memref<8x1280xf32, #tpu.memory_space<hbm>>) target(%arg12 : memref<8x1280xf32, #tpu.memory_space<vmem>>) target_semaphore(%arg19 : memref<!tpu.dma_semaphore, #tpu.memory_space<semaphore_mem>>)
    %add3A_39 = arith.constant 10240 : i32
    %add3A_40 = arith.addi %multiple_of3A, %add3A_39 : i32
    %dma_start3A_41 = tpu.memref_slice %arg4[%add3A_40] : memref<47232000xf32, #tpu.memory_space<hbm>> -> memref<10240xf32, #tpu.memory_space<hbm>>
    %dma_start3A_42 = tpu.memref_slice %arg4[%add3A_40] : memref<47232000xf32, #tpu.memory_space<hbm>> -> memref<10240xf32, #tpu.memory_space<hbm>>
    tpu.enqueue_dma source(%dma_start3A_42 : memref<10240xf32, #tpu.memory_space<hbm>>) target(%arg13 : memref<10240xf32, #tpu.memory_space<vmem>>) target_semaphore(%arg23 : memref<!tpu.dma_semaphore, #tpu.memory_space<semaphore_mem>>)
    %dma_start3A_43 = arith.constant 8 : i32
    %dma_start3A_44 = arith.constant 0 : i32
    %dma_start3A_45 = tpu.memref_slice %arg3[%dma_start3A_43, %dma_start3A_44] : memref<1025x1280xf32, #tpu.memory_space<hbm>> -> memref<8x1280xf32, #tpu.memory_space<hbm>>
    %dma_start3A_46 = arith.constant 8 : i32
    %dma_start3A_47 = arith.constant 0 : i32
    %dma_start3A_48 = tpu.memref_slice %arg3[%dma_start3A_46, %dma_start3A_47] : memref<1025x1280xf32, #tpu.memory_space<hbm>> -> memref<8x1280xf32, #tpu.memory_space<hbm>>
    tpu.enqueue_dma source(%dma_start3A_48 : memref<8x1280xf32, #tpu.memory_space<hbm>>) target(%arg14 : memref<8x1280xf32, #tpu.memory_space<vmem>>) target_semaphore(%arg19 : memref<!tpu.dma_semaphore, #tpu.memory_space<semaphore_mem>>)
    %scan3A = arith.constant 0 : i32
    %scan3A_49 = arith.constant 0 : i32
    %scan3A_50 = arith.constant 64 : i32
    %scan3A_51 = arith.addi %scan3A_49, %scan3A_50 : i32
    %scan3A_52 = arith.constant 1 : i32
    scf.for %scan3A_77 = %scan3A_49 to %scan3A_51 step %scan3A_52  : i32 {
      %mul3A_78 = arith.constant 2 : i32
      %mul3A_79 = arith.muli %mul3A_78, %scan3A_77 : i32
      %add3A_80 = arith.constant 0 : i32
      %add3A_81 = arith.addi %mul3A_79, %add3A_80 : i32
      %mul3A_82 = arith.constant 8 : i32
      %mul3A_83 = arith.muli %mul3A_82, %add3A_81 : i32
      %dma_wait3A_84 = arith.constant 0 : i32
      %dma_wait3A_85 = tpu.memref_slice %arg2[%add3A, %mul3A_83, %dma_wait3A_84] : memref<32x1025x1280xf32, #tpu.memory_space<hbm>> -> memref<1x8x1280xf32, #tpu.memory_space<hbm>>
      %dma_wait3A_86 = tpu.memref_squeeze %dma_wait3A_85 : memref<1x8x1280xf32, #tpu.memory_space<hbm>> -> memref<8x1280xf32, #tpu.memory_space<hbm>>
      %dma_wait3A_87 = arith.constant 0 : i32
      %dma_wait3A_88 = tpu.memref_slice %arg2[%add3A, %mul3A_83, %dma_wait3A_87] : memref<32x1025x1280xf32, #tpu.memory_space<hbm>> -> memref<1x8x1280xf32, #tpu.memory_space<hbm>>
      %dma_wait3A_89 = tpu.memref_squeeze %dma_wait3A_88 : memref<1x8x1280xf32, #tpu.memory_space<hbm>> -> memref<8x1280xf32, #tpu.memory_space<hbm>>
      tpu.wait_dma2 semaphore(%arg18 : memref<!tpu.dma_semaphore, #tpu.memory_space<semaphore_mem>>) src(%dma_wait3A_89 : memref<8x1280xf32, #tpu.memory_space<hbm>>) dst(%arg8 : memref<8x1280xf32, #tpu.memory_space<vmem>>)
      %mul3A_90 = arith.constant 10240 : i32
      %mul3A_91 = arith.muli %add3A_81, %mul3A_90 : i32
      %add3A_92 = arith.addi %multiple_of3A, %mul3A_91 : i32
      %dma_wait3A_93 = tpu.memref_slice %arg4[%add3A_92] : memref<47232000xf32, #tpu.memory_space<hbm>> -> memref<10240xf32, #tpu.memory_space<hbm>>
      %dma_wait3A_94 = tpu.memref_slice %arg4[%add3A_92] : memref<47232000xf32, #tpu.memory_space<hbm>> -> memref<10240xf32, #tpu.memory_space<hbm>>
      tpu.wait_dma2 semaphore(%arg22 : memref<!tpu.dma_semaphore, #tpu.memory_space<semaphore_mem>>) src(%dma_wait3A_94 : memref<10240xf32, #tpu.memory_space<hbm>>) dst(%arg9 : memref<10240xf32, #tpu.memory_space<vmem>>)
      %mul3A_95 = arith.constant 8 : i32
      %mul3A_96 = arith.muli %mul3A_95, %add3A_81 : i32
      %dma_wait3A_97 = arith.constant 0 : i32
      %dma_wait3A_98 = tpu.memref_slice %arg3[%mul3A_96, %dma_wait3A_97] : memref<1025x1280xf32, #tpu.memory_space<hbm>> -> memref<8x1280xf32, #tpu.memory_space<hbm>>
      %dma_wait3A_99 = arith.constant 0 : i32
      %dma_wait3A_100 = tpu.memref_slice %arg3[%mul3A_96, %dma_wait3A_99] : memref<1025x1280xf32, #tpu.memory_space<hbm>> -> memref<8x1280xf32, #tpu.memory_space<hbm>>
      tpu.wait_dma2 semaphore(%arg18 : memref<!tpu.dma_semaphore, #tpu.memory_space<semaphore_mem>>) src(%dma_wait3A_100 : memref<8x1280xf32, #tpu.memory_space<hbm>>) dst(%arg10 : memref<8x1280xf32, #tpu.memory_space<vmem>>)
      %ge3A = arith.constant 2 : i32
      %ge3A_101 = arith.cmpi sge, %add3A_81, %ge3A : i32
      %convert_element_type3A = arith.extui %ge3A_101 : i1 to i32
      %cond3A = arith.constant 0 : i32
      %cond3A_102 = arith.cmpi ne, %convert_element_type3A, %cond3A : i32
      scf.if %cond3A_102 {
        %dma_wait3A_172 = arith.constant 0 : i32
        %dma_wait3A_173 = arith.constant 0 : i32
        %dma_wait3A_174 = tpu.memref_slice %arg7[%add3A, %dma_wait3A_172, %dma_wait3A_173] : memref<32x1025x1280xf32, #tpu.memory_space<hbm>> -> memref<1x8x1280xf32, #tpu.memory_space<hbm>>
        %dma_wait3A_175 = tpu.memref_squeeze %dma_wait3A_174 : memref<1x8x1280xf32, #tpu.memory_space<hbm>> -> memref<8x1280xf32, #tpu.memory_space<hbm>>
        %dma_wait3A_176 = arith.constant 0 : i32
        %dma_wait3A_177 = arith.constant 0 : i32
        %dma_wait3A_178 = tpu.memref_slice %arg7[%add3A, %dma_wait3A_176, %dma_wait3A_177] : memref<32x1025x1280xf32, #tpu.memory_space<hbm>> -> memref<1x8x1280xf32, #tpu.memory_space<hbm>>
        %dma_wait3A_179 = tpu.memref_squeeze %dma_wait3A_178 : memref<1x8x1280xf32, #tpu.memory_space<hbm>> -> memref<8x1280xf32, #tpu.memory_space<hbm>>
        tpu.wait_dma2 semaphore(%arg20 : memref<!tpu.dma_semaphore, #tpu.memory_space<semaphore_mem>>) src(%arg11 : memref<8x1280xf32, #tpu.memory_space<vmem>>) dst(%dma_wait3A_179 : memref<8x1280xf32, #tpu.memory_space<hbm>>)
      } else {
      }
      %scan3A_103 = arith.constant 0 : i32
      %scan3A_104 = arith.constant 0 : i32
      %scan3A_105 = arith.constant 80 : i32
      %scan3A_106 = arith.addi %scan3A_104, %scan3A_105 : i32
      %scan3A_107 = arith.constant 1 : i32
      scf.for %scan3A_172 = %scan3A_104 to %scan3A_106 step %scan3A_107  : i32 {
        %mul3A_173 = arith.constant 16 : i32
        %mul3A_174 = arith.muli %mul3A_173, %scan3A_172 : i32
        %mul3A_175 = arith.constant 16 : i32
        %mul3A_176 = arith.muli %mul3A_175, %scan3A_172 : i32
        %add3A_177 = arith.constant 0 : i32
        %add3A_178 = arith.addi %add3A_177, %mul3A_176 : i32
        %get3A_179 = arith.index_cast %add3A_178 : i32 to index
        %get3A_180 = tpu.vector_load %arg9[%get3A_179] {strides = array<i32>} : memref<10240xf32, #tpu.memory_space<vmem>>, vector<16xf32>,
        %get3A_181 = vector.shape_cast %get3A_180 : vector<16xf32> to vector<16xf32>
        %get3A_182 = arith.constant 0 : i32
        %get3A_183 = arith.index_cast %get3A_182 : i32 to index
        %get3A_184 = arith.index_cast %mul3A_174 : i32 to index
        %get3A_185 = tpu.vector_load %arg8[%get3A_183, %get3A_184] {strides = array<i32>} : memref<8x1280xf32, #tpu.memory_space<vmem>>, vector<1x16xf32>,
        %get3A_186 = vector.shape_cast %get3A_185 : vector<1x16xf32> to vector<16xf32>
        %get3A_187 = arith.constant 0 : i32
        %get3A_188 = arith.index_cast %get3A_187 : i32 to index
        %get3A_189 = arith.index_cast %mul3A_174 : i32 to index
        %get3A_190 = tpu.vector_load %arg10[%get3A_188, %get3A_189] {strides = array<i32>} : memref<8x1280xf32, #tpu.memory_space<vmem>>, vector<1x16xf32>,
        %get3A_191 = vector.shape_cast %get3A_190 : vector<1x16xf32> to vector<16xf32>
        %mul3A_192 = arith.mulf %get3A_4, %get3A_191 : vector<16xf32>
        %add3A_193 = arith.addf %get3A_186, %mul3A_192 : vector<16xf32>
        %mul3A_194 = arith.mulf %get3A_9, %get3A_181 : vector<16xf32>
        %add3A_195 = arith.addf %add3A_193, %mul3A_194 : vector<16xf32>
        %swap3A = arith.constant 0 : i32
        %swap3A_196 = arith.index_cast %swap3A : i32 to index
        %swap3A_197 = arith.index_cast %mul3A_174 : i32 to index
        %swap3A_198 = tpu.vector_load %arg11[%swap3A_196, %swap3A_197] {strides = array<i32>} : memref<8x1280xf32, #tpu.memory_space<vmem>>, vector<1x16xf32>,
        %swap3A_199 = vector.shape_cast %swap3A_198 : vector<1x16xf32> to vector<16xf32>
        %swap3A_200 = vector.shape_cast %add3A_195 : vector<16xf32> to vector<1x16xf32>
        tpu.vector_store %arg11[%swap3A_196, %swap3A_197], %swap3A_200 {strides = array<i32>} : memref<8x1280xf32, #tpu.memory_space<vmem>>, vector<1x16xf32>,
        %mul3A_201 = arith.constant 16 : i32
        %mul3A_202 = arith.muli %mul3A_201, %scan3A_172 : i32
        %add3A_203 = arith.constant 1280 : i32
        %add3A_204 = arith.addi %add3A_203, %mul3A_202 : i32
        %get3A_205 = arith.index_cast %add3A_204 : i32 to index
        %get3A_206 = tpu.vector_load %arg9[%get3A_205] {strides = array<i32>} : memref<10240xf32, #tpu.memory_space<vmem>>, vector<16xf32>,
        %get3A_207 = vector.shape_cast %get3A_206 : vector<16xf32> to vector<16xf32>
        %get3A_208 = arith.constant 1 : i32
        %get3A_209 = arith.index_cast %get3A_208 : i32 to index
        %get3A_210 = arith.index_cast %mul3A_174 : i32 to index
        %get3A_211 = tpu.vector_load %arg8[%get3A_209, %get3A_210] {strides = array<i32>} : memref<8x1280xf32, #tpu.memory_space<vmem>>, vector<1x16xf32>,
        %get3A_212 = vector.shape_cast %get3A_211 : vector<1x16xf32> to vector<16xf32>
        %get3A_213 = arith.constant 1 : i32
        %get3A_214 = arith.index_cast %get3A_213 : i32 to index
        %get3A_215 = arith.index_cast %mul3A_174 : i32 to index
        %get3A_216 = tpu.vector_load %arg10[%get3A_214, %get3A_215] {strides = array<i32>} : memref<8x1280xf32, #tpu.memory_space<vmem>>, vector<1x16xf32>,
        %get3A_217 = vector.shape_cast %get3A_216 : vector<1x16xf32> to vector<16xf32>
        %mul3A_218 = arith.mulf %get3A_4, %get3A_217 : vector<16xf32>
        %add3A_219 = arith.addf %get3A_212, %mul3A_218 : vector<16xf32>
        %mul3A_220 = arith.mulf %get3A_9, %get3A_207 : vector<16xf32>
        %add3A_221 = arith.addf %add3A_219, %mul3A_220 : vector<16xf32>
        %swap3A_222 = arith.constant 1 : i32
        %swap3A_223 = arith.index_cast %swap3A_222 : i32 to index
        %swap3A_224 = arith.index_cast %mul3A_174 : i32 to index
        %swap3A_225 = tpu.vector_load %arg11[%swap3A_223, %swap3A_224] {strides = array<i32>} : memref<8x1280xf32, #tpu.memory_space<vmem>>, vector<1x16xf32>,
        %swap3A_226 = vector.shape_cast %swap3A_225 : vector<1x16xf32> to vector<16xf32>
        %swap3A_227 = vector.shape_cast %add3A_221 : vector<16xf32> to vector<1x16xf32>
        tpu.vector_store %arg11[%swap3A_223, %swap3A_224], %swap3A_227 {strides = array<i32>} : memref<8x1280xf32, #tpu.memory_space<vmem>>, vector<1x16xf32>,
        %mul3A_228 = arith.constant 16 : i32
        %mul3A_229 = arith.muli %mul3A_228, %scan3A_172 : i32
        %add3A_230 = arith.constant 2560 : i32
        %add3A_231 = arith.addi %add3A_230, %mul3A_229 : i32
        %get3A_232 = arith.index_cast %add3A_231 : i32 to index
        %get3A_233 = tpu.vector_load %arg9[%get3A_232] {strides = array<i32>} : memref<10240xf32, #tpu.memory_space<vmem>>, vector<16xf32>,
        %get3A_234 = vector.shape_cast %get3A_233 : vector<16xf32> to vector<16xf32>
        %get3A_235 = arith.constant 2 : i32
        %get3A_236 = arith.index_cast %get3A_235 : i32 to index
        %get3A_237 = arith.index_cast %mul3A_174 : i32 to index
        %get3A_238 = tpu.vector_load %arg8[%get3A_236, %get3A_237] {strides = array<i32>} : memref<8x1280xf32, #tpu.memory_space<vmem>>, vector<1x16xf32>,
        %get3A_239 = vector.shape_cast %get3A_238 : vector<1x16xf32> to vector<16xf32>
        %get3A_240 = arith.constant 2 : i32
        %get3A_241 = arith.index_cast %get3A_240 : i32 to index
        %get3A_242 = arith.index_cast %mul3A_174 : i32 to index
        %get3A_243 = tpu.vector_load %arg10[%get3A_241, %get3A_242] {strides = array<i32>} : memref<8x1280xf32, #tpu.memory_space<vmem>>, vector<1x16xf32>,
        %get3A_244 = vector.shape_cast %get3A_243 : vector<1x16xf32> to vector<16xf32>
        %mul3A_245 = arith.mulf %get3A_4, %get3A_244 : vector<16xf32>
        %add3A_246 = arith.addf %get3A_239, %mul3A_245 : vector<16xf32>
        %mul3A_247 = arith.mulf %get3A_9, %get3A_234 : vector<16xf32>
        %add3A_248 = arith.addf %add3A_246, %mul3A_247 : vector<16xf32>
        %swap3A_249 = arith.constant 2 : i32
        %swap3A_250 = arith.index_cast %swap3A_249 : i32 to index
        %swap3A_251 = arith.index_cast %mul3A_174 : i32 to index
        %swap3A_252 = tpu.vector_load %arg11[%swap3A_250, %swap3A_251] {strides = array<i32>} : memref<8x1280xf32, #tpu.memory_space<vmem>>, vector<1x16xf32>,
        %swap3A_253 = vector.shape_cast %swap3A_252 : vector<1x16xf32> to vector<16xf32>
        %swap3A_254 = vector.shape_cast %add3A_248 : vector<16xf32> to vector<1x16xf32>
        tpu.vector_store %arg11[%swap3A_250, %swap3A_251], %swap3A_254 {strides = array<i32>} : memref<8x1280xf32, #tpu.memory_space<vmem>>, vector<1x16xf32>,
        %mul3A_255 = arith.constant 16 : i32
        %mul3A_256 = arith.muli %mul3A_255, %scan3A_172 : i32
        %add3A_257 = arith.constant 3840 : i32
        %add3A_258 = arith.addi %add3A_257, %mul3A_256 : i32
        %get3A_259 = arith.index_cast %add3A_258 : i32 to index
        %get3A_260 = tpu.vector_load %arg9[%get3A_259] {strides = array<i32>} : memref<10240xf32, #tpu.memory_space<vmem>>, vector<16xf32>,
        %get3A_261 = vector.shape_cast %get3A_260 : vector<16xf32> to vector<16xf32>
        %get3A_262 = arith.constant 3 : i32
        %get3A_263 = arith.index_cast %get3A_262 : i32 to index
        %get3A_264 = arith.index_cast %mul3A_174 : i32 to index
        %get3A_265 = tpu.vector_load %arg8[%get3A_263, %get3A_264] {strides = array<i32>} : memref<8x1280xf32, #tpu.memory_space<vmem>>, vector<1x16xf32>,
        %get3A_266 = vector.shape_cast %get3A_265 : vector<1x16xf32> to vector<16xf32>
        %get3A_267 = arith.constant 3 : i32
        %get3A_268 = arith.index_cast %get3A_267 : i32 to index
        %get3A_269 = arith.index_cast %mul3A_174 : i32 to index
        %get3A_270 = tpu.vector_load %arg10[%get3A_268, %get3A_269] {strides = array<i32>} : memref<8x1280xf32, #tpu.memory_space<vmem>>, vector<1x16xf32>,
        %get3A_271 = vector.shape_cast %get3A_270 : vector<1x16xf32> to vector<16xf32>
        %mul3A_272 = arith.mulf %get3A_4, %get3A_271 : vector<16xf32>
        %add3A_273 = arith.addf %get3A_266, %mul3A_272 : vector<16xf32>
        %mul3A_274 = arith.mulf %get3A_9, %get3A_261 : vector<16xf32>
        %add3A_275 = arith.addf %add3A_273, %mul3A_274 : vector<16xf32>
        %swap3A_276 = arith.constant 3 : i32
        %swap3A_277 = arith.index_cast %swap3A_276 : i32 to index
        %swap3A_278 = arith.index_cast %mul3A_174 : i32 to index
        %swap3A_279 = tpu.vector_load %arg11[%swap3A_277, %swap3A_278] {strides = array<i32>} : memref<8x1280xf32, #tpu.memory_space<vmem>>, vector<1x16xf32>,
        %swap3A_280 = vector.shape_cast %swap3A_279 : vector<1x16xf32> to vector<16xf32>
        %swap3A_281 = vector.shape_cast %add3A_275 : vector<16xf32> to vector<1x16xf32>
        tpu.vector_store %arg11[%swap3A_277, %swap3A_278], %swap3A_281 {strides = array<i32>} : memref<8x1280xf32, #tpu.memory_space<vmem>>, vector<1x16xf32>,
        %mul3A_282 = arith.constant 16 : i32
        %mul3A_283 = arith.muli %mul3A_282, %scan3A_172 : i32
        %add3A_284 = arith.constant 5120 : i32
        %add3A_285 = arith.addi %add3A_284, %mul3A_283 : i32
        %get3A_286 = arith.index_cast %add3A_285 : i32 to index
        %get3A_287 = tpu.vector_load %arg9[%get3A_286] {strides = array<i32>} : memref<10240xf32, #tpu.memory_space<vmem>>, vector<16xf32>,
        %get3A_288 = vector.shape_cast %get3A_287 : vector<16xf32> to vector<16xf32>
        %get3A_289 = arith.constant 4 : i32
        %get3A_290 = arith.index_cast %get3A_289 : i32 to index
        %get3A_291 = arith.index_cast %mul3A_174 : i32 to index
        %get3A_292 = tpu.vector_load %arg8[%get3A_290, %get3A_291] {strides = array<i32>} : memref<8x1280xf32, #tpu.memory_space<vmem>>, vector<1x16xf32>,
        %get3A_293 = vector.shape_cast %get3A_292 : vector<1x16xf32> to vector<16xf32>
        %get3A_294 = arith.constant 4 : i32
        %get3A_295 = arith.index_cast %get3A_294 : i32 to index
        %get3A_296 = arith.index_cast %mul3A_174 : i32 to index
        %get3A_297 = tpu.vector_load %arg10[%get3A_295, %get3A_296] {strides = array<i32>} : memref<8x1280xf32, #tpu.memory_space<vmem>>, vector<1x16xf32>,
        %get3A_298 = vector.shape_cast %get3A_297 : vector<1x16xf32> to vector<16xf32>
        %mul3A_299 = arith.mulf %get3A_4, %get3A_298 : vector<16xf32>
        %add3A_300 = arith.addf %get3A_293, %mul3A_299 : vector<16xf32>
        %mul3A_301 = arith.mulf %get3A_9, %get3A_288 : vector<16xf32>
        %add3A_302 = arith.addf %add3A_300, %mul3A_301 : vector<16xf32>
        %swap3A_303 = arith.constant 4 : i32
        %swap3A_304 = arith.index_cast %swap3A_303 : i32 to index
        %swap3A_305 = arith.index_cast %mul3A_174 : i32 to index
        %swap3A_306 = tpu.vector_load %arg11[%swap3A_304, %swap3A_305] {strides = array<i32>} : memref<8x1280xf32, #tpu.memory_space<vmem>>, vector<1x16xf32>,
        %swap3A_307 = vector.shape_cast %swap3A_306 : vector<1x16xf32> to vector<16xf32>
        %swap3A_308 = vector.shape_cast %add3A_302 : vector<16xf32> to vector<1x16xf32>
        tpu.vector_store %arg11[%swap3A_304, %swap3A_305], %swap3A_308 {strides = array<i32>} : memref<8x1280xf32, #tpu.memory_space<vmem>>, vector<1x16xf32>,
        %mul3A_309 = arith.constant 16 : i32
        %mul3A_310 = arith.muli %mul3A_309, %scan3A_172 : i32
        %add3A_311 = arith.constant 6400 : i32
        %add3A_312 = arith.addi %add3A_311, %mul3A_310 : i32
        %get3A_313 = arith.index_cast %add3A_312 : i32 to index
        %get3A_314 = tpu.vector_load %arg9[%get3A_313] {strides = array<i32>} : memref<10240xf32, #tpu.memory_space<vmem>>, vector<16xf32>,
        %get3A_315 = vector.shape_cast %get3A_314 : vector<16xf32> to vector<16xf32>
        %get3A_316 = arith.constant 5 : i32
        %get3A_317 = arith.index_cast %get3A_316 : i32 to index
        %get3A_318 = arith.index_cast %mul3A_174 : i32 to index
        %get3A_319 = tpu.vector_load %arg8[%get3A_317, %get3A_318] {strides = array<i32>} : memref<8x1280xf32, #tpu.memory_space<vmem>>, vector<1x16xf32>,
        %get3A_320 = vector.shape_cast %get3A_319 : vector<1x16xf32> to vector<16xf32>
        %get3A_321 = arith.constant 5 : i32
        %get3A_322 = arith.index_cast %get3A_321 : i32 to index
        %get3A_323 = arith.index_cast %mul3A_174 : i32 to index
        %get3A_324 = tpu.vector_load %arg10[%get3A_322, %get3A_323] {strides = array<i32>} : memref<8x1280xf32, #tpu.memory_space<vmem>>, vector<1x16xf32>,
        %get3A_325 = vector.shape_cast %get3A_324 : vector<1x16xf32> to vector<16xf32>
        %mul3A_326 = arith.mulf %get3A_4, %get3A_325 : vector<16xf32>
        %add3A_327 = arith.addf %get3A_320, %mul3A_326 : vector<16xf32>
        %mul3A_328 = arith.mulf %get3A_9, %get3A_315 : vector<16xf32>
        %add3A_329 = arith.addf %add3A_327, %mul3A_328 : vector<16xf32>
        %swap3A_330 = arith.constant 5 : i32
        %swap3A_331 = arith.index_cast %swap3A_330 : i32 to index
        %swap3A_332 = arith.index_cast %mul3A_174 : i32 to index
        %swap3A_333 = tpu.vector_load %arg11[%swap3A_331, %swap3A_332] {strides = array<i32>} : memref<8x1280xf32, #tpu.memory_space<vmem>>, vector<1x16xf32>,
        %swap3A_334 = vector.shape_cast %swap3A_333 : vector<1x16xf32> to vector<16xf32>
        %swap3A_335 = vector.shape_cast %add3A_329 : vector<16xf32> to vector<1x16xf32>
        tpu.vector_store %arg11[%swap3A_331, %swap3A_332], %swap3A_335 {strides = array<i32>} : memref<8x1280xf32, #tpu.memory_space<vmem>>, vector<1x16xf32>,
        %mul3A_336 = arith.constant 16 : i32
        %mul3A_337 = arith.muli %mul3A_336, %scan3A_172 : i32
        %add3A_338 = arith.constant 7680 : i32
        %add3A_339 = arith.addi %add3A_338, %mul3A_337 : i32
        %get3A_340 = arith.index_cast %add3A_339 : i32 to index
        %get3A_341 = tpu.vector_load %arg9[%get3A_340] {strides = array<i32>} : memref<10240xf32, #tpu.memory_space<vmem>>, vector<16xf32>,
        %get3A_342 = vector.shape_cast %get3A_341 : vector<16xf32> to vector<16xf32>
        %get3A_343 = arith.constant 6 : i32
        %get3A_344 = arith.index_cast %get3A_343 : i32 to index
        %get3A_345 = arith.index_cast %mul3A_174 : i32 to index
        %get3A_346 = tpu.vector_load %arg8[%get3A_344, %get3A_345] {strides = array<i32>} : memref<8x1280xf32, #tpu.memory_space<vmem>>, vector<1x16xf32>,
        %get3A_347 = vector.shape_cast %get3A_346 : vector<1x16xf32> to vector<16xf32>
        %get3A_348 = arith.constant 6 : i32
        %get3A_349 = arith.index_cast %get3A_348 : i32 to index
        %get3A_350 = arith.index_cast %mul3A_174 : i32 to index
        %get3A_351 = tpu.vector_load %arg10[%get3A_349, %get3A_350] {strides = array<i32>} : memref<8x1280xf32, #tpu.memory_space<vmem>>, vector<1x16xf32>,
        %get3A_352 = vector.shape_cast %get3A_351 : vector<1x16xf32> to vector<16xf32>
        %mul3A_353 = arith.mulf %get3A_4, %get3A_352 : vector<16xf32>
        %add3A_354 = arith.addf %get3A_347, %mul3A_353 : vector<16xf32>
        %mul3A_355 = arith.mulf %get3A_9, %get3A_342 : vector<16xf32>
        %add3A_356 = arith.addf %add3A_354, %mul3A_355 : vector<16xf32>
        %swap3A_357 = arith.constant 6 : i32
        %swap3A_358 = arith.index_cast %swap3A_357 : i32 to index
        %swap3A_359 = arith.index_cast %mul3A_174 : i32 to index
        %swap3A_360 = tpu.vector_load %arg11[%swap3A_358, %swap3A_359] {strides = array<i32>} : memref<8x1280xf32, #tpu.memory_space<vmem>>, vector<1x16xf32>,
        %swap3A_361 = vector.shape_cast %swap3A_360 : vector<1x16xf32> to vector<16xf32>
        %swap3A_362 = vector.shape_cast %add3A_356 : vector<16xf32> to vector<1x16xf32>
        tpu.vector_store %arg11[%swap3A_358, %swap3A_359], %swap3A_362 {strides = array<i32>} : memref<8x1280xf32, #tpu.memory_space<vmem>>, vector<1x16xf32>,
        %mul3A_363 = arith.constant 16 : i32
        %mul3A_364 = arith.muli %mul3A_363, %scan3A_172 : i32
        %add3A_365 = arith.constant 8960 : i32
        %add3A_366 = arith.addi %add3A_365, %mul3A_364 : i32
        %get3A_367 = arith.index_cast %add3A_366 : i32 to index
        %get3A_368 = tpu.vector_load %arg9[%get3A_367] {strides = array<i32>} : memref<10240xf32, #tpu.memory_space<vmem>>, vector<16xf32>,
        %get3A_369 = vector.shape_cast %get3A_368 : vector<16xf32> to vector<16xf32>
        %get3A_370 = arith.constant 7 : i32
        %get3A_371 = arith.index_cast %get3A_370 : i32 to index
        %get3A_372 = arith.index_cast %mul3A_174 : i32 to index
        %get3A_373 = tpu.vector_load %arg8[%get3A_371, %get3A_372] {strides = array<i32>} : memref<8x1280xf32, #tpu.memory_space<vmem>>, vector<1x16xf32>,
        %get3A_374 = vector.shape_cast %get3A_373 : vector<1x16xf32> to vector<16xf32>
        %get3A_375 = arith.constant 7 : i32
        %get3A_376 = arith.index_cast %get3A_375 : i32 to index
        %get3A_377 = arith.index_cast %mul3A_174 : i32 to index
        %get3A_378 = tpu.vector_load %arg10[%get3A_376, %get3A_377] {strides = array<i32>} : memref<8x1280xf32, #tpu.memory_space<vmem>>, vector<1x16xf32>,
        %get3A_379 = vector.shape_cast %get3A_378 : vector<1x16xf32> to vector<16xf32>
        %mul3A_380 = arith.mulf %get3A_4, %get3A_379 : vector<16xf32>
        %add3A_381 = arith.addf %get3A_374, %mul3A_380 : vector<16xf32>
        %mul3A_382 = arith.mulf %get3A_9, %get3A_369 : vector<16xf32>
        %add3A_383 = arith.addf %add3A_381, %mul3A_382 : vector<16xf32>
        %swap3A_384 = arith.constant 7 : i32
        %swap3A_385 = arith.index_cast %swap3A_384 : i32 to index
        %swap3A_386 = arith.index_cast %mul3A_174 : i32 to index
        %swap3A_387 = tpu.vector_load %arg11[%swap3A_385, %swap3A_386] {strides = array<i32>} : memref<8x1280xf32, #tpu.memory_space<vmem>>, vector<1x16xf32>,
        %swap3A_388 = vector.shape_cast %swap3A_387 : vector<1x16xf32> to vector<16xf32>
        %swap3A_389 = vector.shape_cast %add3A_383 : vector<16xf32> to vector<1x16xf32>
        tpu.vector_store %arg11[%swap3A_385, %swap3A_386], %swap3A_389 {strides = array<i32>} : memref<8x1280xf32, #tpu.memory_space<vmem>>, vector<1x16xf32>,
      }
      %scan3A_108 = arith.constant 80 : i32
      %mul3A_109 = arith.constant 8 : i32
      %mul3A_110 = arith.muli %mul3A_109, %add3A_81 : i32
      %dma_start3A_111 = arith.constant 0 : i32
      %dma_start3A_112 = tpu.memref_slice %arg7[%add3A, %mul3A_110, %dma_start3A_111] : memref<32x1025x1280xf32, #tpu.memory_space<hbm>> -> memref<1x8x1280xf32, #tpu.memory_space<hbm>>
      %dma_start3A_113 = tpu.memref_squeeze %dma_start3A_112 : memref<1x8x1280xf32, #tpu.memory_space<hbm>> -> memref<8x1280xf32, #tpu.memory_space<hbm>>
      %dma_start3A_114 = arith.constant 0 : i32
      %dma_start3A_115 = tpu.memref_slice %arg7[%add3A, %mul3A_110, %dma_start3A_114] : memref<32x1025x1280xf32, #tpu.memory_space<hbm>> -> memref<1x8x1280xf32, #tpu.memory_space<hbm>>
      %dma_start3A_116 = tpu.memref_squeeze %dma_start3A_115 : memref<1x8x1280xf32, #tpu.memory_space<hbm>> -> memref<8x1280xf32, #tpu.memory_space<hbm>>
      tpu.enqueue_dma source(%arg11 : memref<8x1280xf32, #tpu.memory_space<vmem>>) target(%dma_start3A_116 : memref<8x1280xf32, #tpu.memory_space<hbm>>) target_semaphore(%arg20 : memref<!tpu.dma_semaphore, #tpu.memory_space<semaphore_mem>>)
      %add3A_117 = arith.constant 2 : i32
      %add3A_118 = arith.addi %add3A_81, %add3A_117 : i32
      %lt3A = arith.constant 128 : i32
      %lt3A_119 = arith.cmpi slt, %add3A_118, %lt3A : i32
      %convert_element_type3A_120 = arith.extui %lt3A_119 : i1 to i32
      %cond3A_121 = arith.constant 0 : i32
      %cond3A_122 = arith.cmpi ne, %convert_element_type3A_120, %cond3A_121 : i32
      scf.if %cond3A_122 {
        %add3A_172 = arith.constant 2 : i32
        %add3A_173 = arith.addi %add3A_81, %add3A_172 : i32
        %mul3A_174 = arith.constant 8 : i32
        %mul3A_175 = arith.muli %mul3A_174, %add3A_173 : i32
        %dma_start3A_176 = arith.constant 0 : i32
        %dma_start3A_177 = tpu.memref_slice %arg2[%add3A, %mul3A_175, %dma_start3A_176] : memref<32x1025x1280xf32, #tpu.memory_space<hbm>> -> memref<1x8x1280xf32, #tpu.memory_space<hbm>>
        %dma_start3A_178 = tpu.memref_squeeze %dma_start3A_177 : memref<1x8x1280xf32, #tpu.memory_space<hbm>> -> memref<8x1280xf32, #tpu.memory_space<hbm>>
        %dma_start3A_179 = arith.constant 0 : i32
        %dma_start3A_180 = tpu.memref_slice %arg2[%add3A, %mul3A_175, %dma_start3A_179] : memref<32x1025x1280xf32, #tpu.memory_space<hbm>> -> memref<1x8x1280xf32, #tpu.memory_space<hbm>>
        %dma_start3A_181 = tpu.memref_squeeze %dma_start3A_180 : memref<1x8x1280xf32, #tpu.memory_space<hbm>> -> memref<8x1280xf32, #tpu.memory_space<hbm>>
        tpu.enqueue_dma source(%dma_start3A_181 : memref<8x1280xf32, #tpu.memory_space<hbm>>) target(%arg8 : memref<8x1280xf32, #tpu.memory_space<vmem>>) target_semaphore(%arg18 : memref<!tpu.dma_semaphore, #tpu.memory_space<semaphore_mem>>)
        %mul3A_182 = arith.constant 10240 : i32
        %mul3A_183 = arith.muli %add3A_173, %mul3A_182 : i32
        %add3A_184 = arith.addi %multiple_of3A, %mul3A_183 : i32
        %dma_start3A_185 = tpu.memref_slice %arg4[%add3A_184] : memref<47232000xf32, #tpu.memory_space<hbm>> -> memref<10240xf32, #tpu.memory_space<hbm>>
        %dma_start3A_186 = tpu.memref_slice %arg4[%add3A_184] : memref<47232000xf32, #tpu.memory_space<hbm>> -> memref<10240xf32, #tpu.memory_space<hbm>>
        tpu.enqueue_dma source(%dma_start3A_186 : memref<10240xf32, #tpu.memory_space<hbm>>) target(%arg9 : memref<10240xf32, #tpu.memory_space<vmem>>) target_semaphore(%arg22 : memref<!tpu.dma_semaphore, #tpu.memory_space<semaphore_mem>>)
        %mul3A_187 = arith.constant 8 : i32
        %mul3A_188 = arith.muli %mul3A_187, %add3A_173 : i32
        %dma_start3A_189 = arith.constant 0 : i32
        %dma_start3A_190 = tpu.memref_slice %arg3[%mul3A_188, %dma_start3A_189] : memref<1025x1280xf32, #tpu.memory_space<hbm>> -> memref<8x1280xf32, #tpu.memory_space<hbm>>
        %dma_start3A_191 = arith.constant 0 : i32
        %dma_start3A_192 = tpu.memref_slice %arg3[%mul3A_188, %dma_start3A_191] : memref<1025x1280xf32, #tpu.memory_space<hbm>> -> memref<8x1280xf32, #tpu.memory_space<hbm>>
        tpu.enqueue_dma source(%dma_start3A_192 : memref<8x1280xf32, #tpu.memory_space<hbm>>) target(%arg10 : memref<8x1280xf32, #tpu.memory_space<vmem>>) target_semaphore(%arg18 : memref<!tpu.dma_semaphore, #tpu.memory_space<semaphore_mem>>)
      } else {
      }
      %mul3A_123 = arith.constant 2 : i32
      %mul3A_124 = arith.muli %mul3A_123, %scan3A_77 : i32
      %add3A_125 = arith.constant 1 : i32
      %add3A_126 = arith.addi %mul3A_124, %add3A_125 : i32
      %mul3A_127 = arith.constant 8 : i32
      %mul3A_128 = arith.muli %mul3A_127, %add3A_126 : i32
      %dma_wait3A_129 = arith.constant 0 : i32
      %dma_wait3A_130 = tpu.memref_slice %arg2[%add3A, %mul3A_128, %dma_wait3A_129] : memref<32x1025x1280xf32, #tpu.memory_space<hbm>> -> memref<1x8x1280xf32, #tpu.memory_space<hbm>>
      %dma_wait3A_131 = tpu.memref_squeeze %dma_wait3A_130 : memref<1x8x1280xf32, #tpu.memory_space<hbm>> -> memref<8x1280xf32, #tpu.memory_space<hbm>>
      %dma_wait3A_132 = arith.constant 0 : i32
      %dma_wait3A_133 = tpu.memref_slice %arg2[%add3A, %mul3A_128, %dma_wait3A_132] : memref<32x1025x1280xf32, #tpu.memory_space<hbm>> -> memref<1x8x1280xf32, #tpu.memory_space<hbm>>
      %dma_wait3A_134 = tpu.memref_squeeze %dma_wait3A_133 : memref<1x8x1280xf32, #tpu.memory_space<hbm>> -> memref<8x1280xf32, #tpu.memory_space<hbm>>
      tpu.wait_dma2 semaphore(%arg19 : memref<!tpu.dma_semaphore, #tpu.memory_space<semaphore_mem>>) src(%dma_wait3A_134 : memref<8x1280xf32, #tpu.memory_space<hbm>>) dst(%arg12 : memref<8x1280xf32, #tpu.memory_space<vmem>>)
      %mul3A_135 = arith.constant 10240 : i32
      %mul3A_136 = arith.muli %add3A_126, %mul3A_135 : i32
      %add3A_137 = arith.addi %multiple_of3A, %mul3A_136 : i32
      %dma_wait3A_138 = tpu.memref_slice %arg4[%add3A_137] : memref<47232000xf32, #tpu.memory_space<hbm>> -> memref<10240xf32, #tpu.memory_space<hbm>>
      %dma_wait3A_139 = tpu.memref_slice %arg4[%add3A_137] : memref<47232000xf32, #tpu.memory_space<hbm>> -> memref<10240xf32, #tpu.memory_space<hbm>>
      tpu.wait_dma2 semaphore(%arg23 : memref<!tpu.dma_semaphore, #tpu.memory_space<semaphore_mem>>) src(%dma_wait3A_139 : memref<10240xf32, #tpu.memory_space<hbm>>) dst(%arg13 : memref<10240xf32, #tpu.memory_space<vmem>>)
      %mul3A_140 = arith.constant 8 : i32
      %mul3A_141 = arith.muli %mul3A_140, %add3A_126 : i32
      %dma_wait3A_142 = arith.constant 0 : i32
      %dma_wait3A_143 = tpu.memref_slice %arg3[%mul3A_141, %dma_wait3A_142] : memref<1025x1280xf32, #tpu.memory_space<hbm>> -> memref<8x1280xf32, #tpu.memory_space<hbm>>
      %dma_wait3A_144 = arith.constant 0 : i32
      %dma_wait3A_145 = tpu.memref_slice %arg3[%mul3A_141, %dma_wait3A_144] : memref<1025x1280xf32, #tpu.memory_space<hbm>> -> memref<8x1280xf32, #tpu.memory_space<hbm>>
      tpu.wait_dma2 semaphore(%arg19 : memref<!tpu.dma_semaphore, #tpu.memory_space<semaphore_mem>>) src(%dma_wait3A_145 : memref<8x1280xf32, #tpu.memory_space<hbm>>) dst(%arg14 : memref<8x1280xf32, #tpu.memory_space<vmem>>)
      %ge3A_146 = arith.constant 2 : i32
      %ge3A_147 = arith.cmpi sge, %add3A_126, %ge3A_146 : i32
      %convert_element_type3A_148 = arith.extui %ge3A_147 : i1 to i32
      %cond3A_149 = arith.constant 0 : i32
      %cond3A_150 = arith.cmpi ne, %convert_element_type3A_148, %cond3A_149 : i32
      scf.if %cond3A_150 {
        %dma_wait3A_172 = arith.constant 0 : i32
        %dma_wait3A_173 = arith.constant 0 : i32
        %dma_wait3A_174 = tpu.memref_slice %arg7[%add3A, %dma_wait3A_172, %dma_wait3A_173] : memref<32x1025x1280xf32, #tpu.memory_space<hbm>> -> memref<1x8x1280xf32, #tpu.memory_space<hbm>>
        %dma_wait3A_175 = tpu.memref_squeeze %dma_wait3A_174 : memref<1x8x1280xf32, #tpu.memory_space<hbm>> -> memref<8x1280xf32, #tpu.memory_space<hbm>>
        %dma_wait3A_176 = arith.constant 0 : i32
        %dma_wait3A_177 = arith.constant 0 : i32
        %dma_wait3A_178 = tpu.memref_slice %arg7[%add3A, %dma_wait3A_176, %dma_wait3A_177] : memref<32x1025x1280xf32, #tpu.memory_space<hbm>> -> memref<1x8x1280xf32, #tpu.memory_space<hbm>>
        %dma_wait3A_179 = tpu.memref_squeeze %dma_wait3A_178 : memref<1x8x1280xf32, #tpu.memory_space<hbm>> -> memref<8x1280xf32, #tpu.memory_space<hbm>>
        tpu.wait_dma2 semaphore(%arg21 : memref<!tpu.dma_semaphore, #tpu.memory_space<semaphore_mem>>) src(%arg15 : memref<8x1280xf32, #tpu.memory_space<vmem>>) dst(%dma_wait3A_179 : memref<8x1280xf32, #tpu.memory_space<hbm>>)
      } else {
      }
      %scan3A_151 = arith.constant 0 : i32
      %scan3A_152 = arith.constant 0 : i32
      %scan3A_153 = arith.constant 80 : i32
      %scan3A_154 = arith.addi %scan3A_152, %scan3A_153 : i32
      %scan3A_155 = arith.constant 1 : i32
      scf.for %scan3A_172 = %scan3A_152 to %scan3A_154 step %scan3A_155  : i32 {
        %mul3A_173 = arith.constant 16 : i32
        %mul3A_174 = arith.muli %mul3A_173, %scan3A_172 : i32
        %mul3A_175 = arith.constant 16 : i32
        %mul3A_176 = arith.muli %mul3A_175, %scan3A_172 : i32
        %add3A_177 = arith.constant 0 : i32
        %add3A_178 = arith.addi %add3A_177, %mul3A_176 : i32
        %get3A_179 = arith.index_cast %add3A_178 : i32 to index
        %get3A_180 = tpu.vector_load %arg13[%get3A_179] {strides = array<i32>} : memref<10240xf32, #tpu.memory_space<vmem>>, vector<16xf32>,
        %get3A_181 = vector.shape_cast %get3A_180 : vector<16xf32> to vector<16xf32>
        %get3A_182 = arith.constant 0 : i32
        %get3A_183 = arith.index_cast %get3A_182 : i32 to index
        %get3A_184 = arith.index_cast %mul3A_174 : i32 to index
        %get3A_185 = tpu.vector_load %arg12[%get3A_183, %get3A_184] {strides = array<i32>} : memref<8x1280xf32, #tpu.memory_space<vmem>>, vector<1x16xf32>,
        %get3A_186 = vector.shape_cast %get3A_185 : vector<1x16xf32> to vector<16xf32>
        %get3A_187 = arith.constant 0 : i32
        %get3A_188 = arith.index_cast %get3A_187 : i32 to index
        %get3A_189 = arith.index_cast %mul3A_174 : i32 to index
        %get3A_190 = tpu.vector_load %arg14[%get3A_188, %get3A_189] {strides = array<i32>} : memref<8x1280xf32, #tpu.memory_space<vmem>>, vector<1x16xf32>,
        %get3A_191 = vector.shape_cast %get3A_190 : vector<1x16xf32> to vector<16xf32>
        %mul3A_192 = arith.mulf %get3A_4, %get3A_191 : vector<16xf32>
        %add3A_193 = arith.addf %get3A_186, %mul3A_192 : vector<16xf32>
        %mul3A_194 = arith.mulf %get3A_9, %get3A_181 : vector<16xf32>
        %add3A_195 = arith.addf %add3A_193, %mul3A_194 : vector<16xf32>
        %swap3A = arith.constant 0 : i32
        %swap3A_196 = arith.index_cast %swap3A : i32 to index
        %swap3A_197 = arith.index_cast %mul3A_174 : i32 to index
        %swap3A_198 = tpu.vector_load %arg15[%swap3A_196, %swap3A_197] {strides = array<i32>} : memref<8x1280xf32, #tpu.memory_space<vmem>>, vector<1x16xf32>,
        %swap3A_199 = vector.shape_cast %swap3A_198 : vector<1x16xf32> to vector<16xf32>
        %swap3A_200 = vector.shape_cast %add3A_195 : vector<16xf32> to vector<1x16xf32>
        tpu.vector_store %arg15[%swap3A_196, %swap3A_197], %swap3A_200 {strides = array<i32>} : memref<8x1280xf32, #tpu.memory_space<vmem>>, vector<1x16xf32>,
        %mul3A_201 = arith.constant 16 : i32
        %mul3A_202 = arith.muli %mul3A_201, %scan3A_172 : i32
        %add3A_203 = arith.constant 1280 : i32
        %add3A_204 = arith.addi %add3A_203, %mul3A_202 : i32
        %get3A_205 = arith.index_cast %add3A_204 : i32 to index
        %get3A_206 = tpu.vector_load %arg13[%get3A_205] {strides = array<i32>} : memref<10240xf32, #tpu.memory_space<vmem>>, vector<16xf32>,
        %get3A_207 = vector.shape_cast %get3A_206 : vector<16xf32> to vector<16xf32>
        %get3A_208 = arith.constant 1 : i32
        %get3A_209 = arith.index_cast %get3A_208 : i32 to index
        %get3A_210 = arith.index_cast %mul3A_174 : i32 to index
        %get3A_211 = tpu.vector_load %arg12[%get3A_209, %get3A_210] {strides = array<i32>} : memref<8x1280xf32, #tpu.memory_space<vmem>>, vector<1x16xf32>,
        %get3A_212 = vector.shape_cast %get3A_211 : vector<1x16xf32> to vector<16xf32>
        %get3A_213 = arith.constant 1 : i32
        %get3A_214 = arith.index_cast %get3A_213 : i32 to index
        %get3A_215 = arith.index_cast %mul3A_174 : i32 to index
        %get3A_216 = tpu.vector_load %arg14[%get3A_214, %get3A_215] {strides = array<i32>} : memref<8x1280xf32, #tpu.memory_space<vmem>>, vector<1x16xf32>,
        %get3A_217 = vector.shape_cast %get3A_216 : vector<1x16xf32> to vector<16xf32>
        %mul3A_218 = arith.mulf %get3A_4, %get3A_217 : vector<16xf32>
        %add3A_219 = arith.addf %get3A_212, %mul3A_218 : vector<16xf32>
        %mul3A_220 = arith.mulf %get3A_9, %get3A_207 : vector<16xf32>
        %add3A_221 = arith.addf %add3A_219, %mul3A_220 : vector<16xf32>
        %swap3A_222 = arith.constant 1 : i32
        %swap3A_223 = arith.index_cast %swap3A_222 : i32 to index
        %swap3A_224 = arith.index_cast %mul3A_174 : i32 to index
        %swap3A_225 = tpu.vector_load %arg15[%swap3A_223, %swap3A_224] {strides = array<i32>} : memref<8x1280xf32, #tpu.memory_space<vmem>>, vector<1x16xf32>,
        %swap3A_226 = vector.shape_cast %swap3A_225 : vector<1x16xf32> to vector<16xf32>
        %swap3A_227 = vector.shape_cast %add3A_221 : vector<16xf32> to vector<1x16xf32>
        tpu.vector_store %arg15[%swap3A_223, %swap3A_224], %swap3A_227 {strides = array<i32>} : memref<8x1280xf32, #tpu.memory_space<vmem>>, vector<1x16xf32>,
        %mul3A_228 = arith.constant 16 : i32
        %mul3A_229 = arith.muli %mul3A_228, %scan3A_172 : i32
        %add3A_230 = arith.constant 2560 : i32
        %add3A_231 = arith.addi %add3A_230, %mul3A_229 : i32
        %get3A_232 = arith.index_cast %add3A_231 : i32 to index
        %get3A_233 = tpu.vector_load %arg13[%get3A_232] {strides = array<i32>} : memref<10240xf32, #tpu.memory_space<vmem>>, vector<16xf32>,
        %get3A_234 = vector.shape_cast %get3A_233 : vector<16xf32> to vector<16xf32>
        %get3A_235 = arith.constant 2 : i32
        %get3A_236 = arith.index_cast %get3A_235 : i32 to index
        %get3A_237 = arith.index_cast %mul3A_174 : i32 to index
        %get3A_238 = tpu.vector_load %arg12[%get3A_236, %get3A_237] {strides = array<i32>} : memref<8x1280xf32, #tpu.memory_space<vmem>>, vector<1x16xf32>,
        %get3A_239 = vector.shape_cast %get3A_238 : vector<1x16xf32> to vector<16xf32>
        %get3A_240 = arith.constant 2 : i32
        %get3A_241 = arith.index_cast %get3A_240 : i32 to index
        %get3A_242 = arith.index_cast %mul3A_174 : i32 to index
        %get3A_243 = tpu.vector_load %arg14[%get3A_241, %get3A_242] {strides = array<i32>} : memref<8x1280xf32, #tpu.memory_space<vmem>>, vector<1x16xf32>,
        %get3A_244 = vector.shape_cast %get3A_243 : vector<1x16xf32> to vector<16xf32>
        %mul3A_245 = arith.mulf %get3A_4, %get3A_244 : vector<16xf32>
        %add3A_246 = arith.addf %get3A_239, %mul3A_245 : vector<16xf32>
        %mul3A_247 = arith.mulf %get3A_9, %get3A_234 : vector<16xf32>
        %add3A_248 = arith.addf %add3A_246, %mul3A_247 : vector<16xf32>
        %swap3A_249 = arith.constant 2 : i32
        %swap3A_250 = arith.index_cast %swap3A_249 : i32 to index
        %swap3A_251 = arith.index_cast %mul3A_174 : i32 to index
        %swap3A_252 = tpu.vector_load %arg15[%swap3A_250, %swap3A_251] {strides = array<i32>} : memref<8x1280xf32, #tpu.memory_space<vmem>>, vector<1x16xf32>,
        %swap3A_253 = vector.shape_cast %swap3A_252 : vector<1x16xf32> to vector<16xf32>
        %swap3A_254 = vector.shape_cast %add3A_248 : vector<16xf32> to vector<1x16xf32>
        tpu.vector_store %arg15[%swap3A_250, %swap3A_251], %swap3A_254 {strides = array<i32>} : memref<8x1280xf32, #tpu.memory_space<vmem>>, vector<1x16xf32>,
        %mul3A_255 = arith.constant 16 : i32
        %mul3A_256 = arith.muli %mul3A_255, %scan3A_172 : i32
        %add3A_257 = arith.constant 3840 : i32
        %add3A_258 = arith.addi %add3A_257, %mul3A_256 : i32
        %get3A_259 = arith.index_cast %add3A_258 : i32 to index
        %get3A_260 = tpu.vector_load %arg13[%get3A_259] {strides = array<i32>} : memref<10240xf32, #tpu.memory_space<vmem>>, vector<16xf32>,
        %get3A_261 = vector.shape_cast %get3A_260 : vector<16xf32> to vector<16xf32>
        %get3A_262 = arith.constant 3 : i32
        %get3A_263 = arith.index_cast %get3A_262 : i32 to index
        %get3A_264 = arith.index_cast %mul3A_174 : i32 to index
        %get3A_265 = tpu.vector_load %arg12[%get3A_263, %get3A_264] {strides = array<i32>} : memref<8x1280xf32, #tpu.memory_space<vmem>>, vector<1x16xf32>,
        %get3A_266 = vector.shape_cast %get3A_265 : vector<1x16xf32> to vector<16xf32>
        %get3A_267 = arith.constant 3 : i32
        %get3A_268 = arith.index_cast %get3A_267 : i32 to index
        %get3A_269 = arith.index_cast %mul3A_174 : i32 to index
        %get3A_270 = tpu.vector_load %arg14[%get3A_268, %get3A_269] {strides = array<i32>} : memref<8x1280xf32, #tpu.memory_space<vmem>>, vector<1x16xf32>,
        %get3A_271 = vector.shape_cast %get3A_270 : vector<1x16xf32> to vector<16xf32>
        %mul3A_272 = arith.mulf %get3A_4, %get3A_271 : vector<16xf32>
        %add3A_273 = arith.addf %get3A_266, %mul3A_272 : vector<16xf32>
        %mul3A_274 = arith.mulf %get3A_9, %get3A_261 : vector<16xf32>
        %add3A_275 = arith.addf %add3A_273, %mul3A_274 : vector<16xf32>
        %swap3A_276 = arith.constant 3 : i32
        %swap3A_277 = arith.index_cast %swap3A_276 : i32 to index
        %swap3A_278 = arith.index_cast %mul3A_174 : i32 to index
        %swap3A_279 = tpu.vector_load %arg15[%swap3A_277, %swap3A_278] {strides = array<i32>} : memref<8x1280xf32, #tpu.memory_space<vmem>>, vector<1x16xf32>,
        %swap3A_280 = vector.shape_cast %swap3A_279 : vector<1x16xf32> to vector<16xf32>
        %swap3A_281 = vector.shape_cast %add3A_275 : vector<16xf32> to vector<1x16xf32>
        tpu.vector_store %arg15[%swap3A_277, %swap3A_278], %swap3A_281 {strides = array<i32>} : memref<8x1280xf32, #tpu.memory_space<vmem>>, vector<1x16xf32>,
        %mul3A_282 = arith.constant 16 : i32
        %mul3A_283 = arith.muli %mul3A_282, %scan3A_172 : i32
        %add3A_284 = arith.constant 5120 : i32
        %add3A_285 = arith.addi %add3A_284, %mul3A_283 : i32
        %get3A_286 = arith.index_cast %add3A_285 : i32 to index
        %get3A_287 = tpu.vector_load %arg13[%get3A_286] {strides = array<i32>} : memref<10240xf32, #tpu.memory_space<vmem>>, vector<16xf32>,
        %get3A_288 = vector.shape_cast %get3A_287 : vector<16xf32> to vector<16xf32>
        %get3A_289 = arith.constant 4 : i32
        %get3A_290 = arith.index_cast %get3A_289 : i32 to index
        %get3A_291 = arith.index_cast %mul3A_174 : i32 to index
        %get3A_292 = tpu.vector_load %arg12[%get3A_290, %get3A_291] {strides = array<i32>} : memref<8x1280xf32, #tpu.memory_space<vmem>>, vector<1x16xf32>,
        %get3A_293 = vector.shape_cast %get3A_292 : vector<1x16xf32> to vector<16xf32>
        %get3A_294 = arith.constant 4 : i32
        %get3A_295 = arith.index_cast %get3A_294 : i32 to index
        %get3A_296 = arith.index_cast %mul3A_174 : i32 to index
        %get3A_297 = tpu.vector_load %arg14[%get3A_295, %get3A_296] {strides = array<i32>} : memref<8x1280xf32, #tpu.memory_space<vmem>>, vector<1x16xf32>,
        %get3A_298 = vector.shape_cast %get3A_297 : vector<1x16xf32> to vector<16xf32>
        %mul3A_299 = arith.mulf %get3A_4, %get3A_298 : vector<16xf32>
        %add3A_300 = arith.addf %get3A_293, %mul3A_299 : vector<16xf32>
        %mul3A_301 = arith.mulf %get3A_9, %get3A_288 : vector<16xf32>
        %add3A_302 = arith.addf %add3A_300, %mul3A_301 : vector<16xf32>
        %swap3A_303 = arith.constant 4 : i32
        %swap3A_304 = arith.index_cast %swap3A_303 : i32 to index
        %swap3A_305 = arith.index_cast %mul3A_174 : i32 to index
        %swap3A_306 = tpu.vector_load %arg15[%swap3A_304, %swap3A_305] {strides = array<i32>} : memref<8x1280xf32, #tpu.memory_space<vmem>>, vector<1x16xf32>,
        %swap3A_307 = vector.shape_cast %swap3A_306 : vector<1x16xf32> to vector<16xf32>
        %swap3A_308 = vector.shape_cast %add3A_302 : vector<16xf32> to vector<1x16xf32>
        tpu.vector_store %arg15[%swap3A_304, %swap3A_305], %swap3A_308 {strides = array<i32>} : memref<8x1280xf32, #tpu.memory_space<vmem>>, vector<1x16xf32>,
        %mul3A_309 = arith.constant 16 : i32
        %mul3A_310 = arith.muli %mul3A_309, %scan3A_172 : i32
        %add3A_311 = arith.constant 6400 : i32
        %add3A_312 = arith.addi %add3A_311, %mul3A_310 : i32
        %get3A_313 = arith.index_cast %add3A_312 : i32 to index
        %get3A_314 = tpu.vector_load %arg13[%get3A_313] {strides = array<i32>} : memref<10240xf32, #tpu.memory_space<vmem>>, vector<16xf32>,
        %get3A_315 = vector.shape_cast %get3A_314 : vector<16xf32> to vector<16xf32>
        %get3A_316 = arith.constant 5 : i32
        %get3A_317 = arith.index_cast %get3A_316 : i32 to index
        %get3A_318 = arith.index_cast %mul3A_174 : i32 to index
        %get3A_319 = tpu.vector_load %arg12[%get3A_317, %get3A_318] {strides = array<i32>} : memref<8x1280xf32, #tpu.memory_space<vmem>>, vector<1x16xf32>,
        %get3A_320 = vector.shape_cast %get3A_319 : vector<1x16xf32> to vector<16xf32>
        %get3A_321 = arith.constant 5 : i32
        %get3A_322 = arith.index_cast %get3A_321 : i32 to index
        %get3A_323 = arith.index_cast %mul3A_174 : i32 to index
        %get3A_324 = tpu.vector_load %arg14[%get3A_322, %get3A_323] {strides = array<i32>} : memref<8x1280xf32, #tpu.memory_space<vmem>>, vector<1x16xf32>,
        %get3A_325 = vector.shape_cast %get3A_324 : vector<1x16xf32> to vector<16xf32>
        %mul3A_326 = arith.mulf %get3A_4, %get3A_325 : vector<16xf32>
        %add3A_327 = arith.addf %get3A_320, %mul3A_326 : vector<16xf32>
        %mul3A_328 = arith.mulf %get3A_9, %get3A_315 : vector<16xf32>
        %add3A_329 = arith.addf %add3A_327, %mul3A_328 : vector<16xf32>
        %swap3A_330 = arith.constant 5 : i32
        %swap3A_331 = arith.index_cast %swap3A_330 : i32 to index
        %swap3A_332 = arith.index_cast %mul3A_174 : i32 to index
        %swap3A_333 = tpu.vector_load %arg15[%swap3A_331, %swap3A_332] {strides = array<i32>} : memref<8x1280xf32, #tpu.memory_space<vmem>>, vector<1x16xf32>,
        %swap3A_334 = vector.shape_cast %swap3A_333 : vector<1x16xf32> to vector<16xf32>
        %swap3A_335 = vector.shape_cast %add3A_329 : vector<16xf32> to vector<1x16xf32>
        tpu.vector_store %arg15[%swap3A_331, %swap3A_332], %swap3A_335 {strides = array<i32>} : memref<8x1280xf32, #tpu.memory_space<vmem>>, vector<1x16xf32>,
        %mul3A_336 = arith.constant 16 : i32
        %mul3A_337 = arith.muli %mul3A_336, %scan3A_172 : i32
        %add3A_338 = arith.constant 7680 : i32
        %add3A_339 = arith.addi %add3A_338, %mul3A_337 : i32
        %get3A_340 = arith.index_cast %add3A_339 : i32 to index
        %get3A_341 = tpu.vector_load %arg13[%get3A_340] {strides = array<i32>} : memref<10240xf32, #tpu.memory_space<vmem>>, vector<16xf32>,
        %get3A_342 = vector.shape_cast %get3A_341 : vector<16xf32> to vector<16xf32>
        %get3A_343 = arith.constant 6 : i32
        %get3A_344 = arith.index_cast %get3A_343 : i32 to index
        %get3A_345 = arith.index_cast %mul3A_174 : i32 to index
        %get3A_346 = tpu.vector_load %arg12[%get3A_344, %get3A_345] {strides = array<i32>} : memref<8x1280xf32, #tpu.memory_space<vmem>>, vector<1x16xf32>,
        %get3A_347 = vector.shape_cast %get3A_346 : vector<1x16xf32> to vector<16xf32>
        %get3A_348 = arith.constant 6 : i32
        %get3A_349 = arith.index_cast %get3A_348 : i32 to index
        %get3A_350 = arith.index_cast %mul3A_174 : i32 to index
        %get3A_351 = tpu.vector_load %arg14[%get3A_349, %get3A_350] {strides = array<i32>} : memref<8x1280xf32, #tpu.memory_space<vmem>>, vector<1x16xf32>,
        %get3A_352 = vector.shape_cast %get3A_351 : vector<1x16xf32> to vector<16xf32>
        %mul3A_353 = arith.mulf %get3A_4, %get3A_352 : vector<16xf32>
        %add3A_354 = arith.addf %get3A_347, %mul3A_353 : vector<16xf32>
        %mul3A_355 = arith.mulf %get3A_9, %get3A_342 : vector<16xf32>
        %add3A_356 = arith.addf %add3A_354, %mul3A_355 : vector<16xf32>
        %swap3A_357 = arith.constant 6 : i32
        %swap3A_358 = arith.index_cast %swap3A_357 : i32 to index
        %swap3A_359 = arith.index_cast %mul3A_174 : i32 to index
        %swap3A_360 = tpu.vector_load %arg15[%swap3A_358, %swap3A_359] {strides = array<i32>} : memref<8x1280xf32, #tpu.memory_space<vmem>>, vector<1x16xf32>,
        %swap3A_361 = vector.shape_cast %swap3A_360 : vector<1x16xf32> to vector<16xf32>
        %swap3A_362 = vector.shape_cast %add3A_356 : vector<16xf32> to vector<1x16xf32>
        tpu.vector_store %arg15[%swap3A_358, %swap3A_359], %swap3A_362 {strides = array<i32>} : memref<8x1280xf32, #tpu.memory_space<vmem>>, vector<1x16xf32>,
        %mul3A_363 = arith.constant 16 : i32
        %mul3A_364 = arith.muli %mul3A_363, %scan3A_172 : i32
        %add3A_365 = arith.constant 8960 : i32
        %add3A_366 = arith.addi %add3A_365, %mul3A_364 : i32
        %get3A_367 = arith.index_cast %add3A_366 : i32 to index
        %get3A_368 = tpu.vector_load %arg13[%get3A_367] {strides = array<i32>} : memref<10240xf32, #tpu.memory_space<vmem>>, vector<16xf32>,
        %get3A_369 = vector.shape_cast %get3A_368 : vector<16xf32> to vector<16xf32>
        %get3A_370 = arith.constant 7 : i32
        %get3A_371 = arith.index_cast %get3A_370 : i32 to index
        %get3A_372 = arith.index_cast %mul3A_174 : i32 to index
        %get3A_373 = tpu.vector_load %arg12[%get3A_371, %get3A_372] {strides = array<i32>} : memref<8x1280xf32, #tpu.memory_space<vmem>>, vector<1x16xf32>,
        %get3A_374 = vector.shape_cast %get3A_373 : vector<1x16xf32> to vector<16xf32>
        %get3A_375 = arith.constant 7 : i32
        %get3A_376 = arith.index_cast %get3A_375 : i32 to index
        %get3A_377 = arith.index_cast %mul3A_174 : i32 to index
        %get3A_378 = tpu.vector_load %arg14[%get3A_376, %get3A_377] {strides = array<i32>} : memref<8x1280xf32, #tpu.memory_space<vmem>>, vector<1x16xf32>,
        %get3A_379 = vector.shape_cast %get3A_378 : vector<1x16xf32> to vector<16xf32>
        %mul3A_380 = arith.mulf %get3A_4, %get3A_379 : vector<16xf32>
        %add3A_381 = arith.addf %get3A_374, %mul3A_380 : vector<16xf32>
        %mul3A_382 = arith.mulf %get3A_9, %get3A_369 : vector<16xf32>
        %add3A_383 = arith.addf %add3A_381, %mul3A_382 : vector<16xf32>
        %swap3A_384 = arith.constant 7 : i32
        %swap3A_385 = arith.index_cast %swap3A_384 : i32 to index
        %swap3A_386 = arith.index_cast %mul3A_174 : i32 to index
        %swap3A_387 = tpu.vector_load %arg15[%swap3A_385, %swap3A_386] {strides = array<i32>} : memref<8x1280xf32, #tpu.memory_space<vmem>>, vector<1x16xf32>,
        %swap3A_388 = vector.shape_cast %swap3A_387 : vector<1x16xf32> to vector<16xf32>
        %swap3A_389 = vector.shape_cast %add3A_383 : vector<16xf32> to vector<1x16xf32>
        tpu.vector_store %arg15[%swap3A_385, %swap3A_386], %swap3A_389 {strides = array<i32>} : memref<8x1280xf32, #tpu.memory_space<vmem>>, vector<1x16xf32>,
      }
      %scan3A_156 = arith.constant 80 : i32
      %mul3A_157 = arith.constant 8 : i32
      %mul3A_158 = arith.muli %mul3A_157, %add3A_126 : i32
      %dma_start3A_159 = arith.constant 0 : i32
      %dma_start3A_160 = tpu.memref_slice %arg7[%add3A, %mul3A_158, %dma_start3A_159] : memref<32x1025x1280xf32, #tpu.memory_space<hbm>> -> memref<1x8x1280xf32, #tpu.memory_space<hbm>>
      %dma_start3A_161 = tpu.memref_squeeze %dma_start3A_160 : memref<1x8x1280xf32, #tpu.memory_space<hbm>> -> memref<8x1280xf32, #tpu.memory_space<hbm>>
      %dma_start3A_162 = arith.constant 0 : i32
      %dma_start3A_163 = tpu.memref_slice %arg7[%add3A, %mul3A_158, %dma_start3A_162] : memref<32x1025x1280xf32, #tpu.memory_space<hbm>> -> memref<1x8x1280xf32, #tpu.memory_space<hbm>>
      %dma_start3A_164 = tpu.memref_squeeze %dma_start3A_163 : memref<1x8x1280xf32, #tpu.memory_space<hbm>> -> memref<8x1280xf32, #tpu.memory_space<hbm>>
      tpu.enqueue_dma source(%arg15 : memref<8x1280xf32, #tpu.memory_space<vmem>>) target(%dma_start3A_164 : memref<8x1280xf32, #tpu.memory_space<hbm>>) target_semaphore(%arg21 : memref<!tpu.dma_semaphore, #tpu.memory_space<semaphore_mem>>)
      %add3A_165 = arith.constant 2 : i32
      %add3A_166 = arith.addi %add3A_126, %add3A_165 : i32
      %lt3A_167 = arith.constant 128 : i32
      %lt3A_168 = arith.cmpi slt, %add3A_166, %lt3A_167 : i32
      %convert_element_type3A_169 = arith.extui %lt3A_168 : i1 to i32
      %cond3A_170 = arith.constant 0 : i32
      %cond3A_171 = arith.cmpi ne, %convert_element_type3A_169, %cond3A_170 : i32
      scf.if %cond3A_171 {
        %add3A_172 = arith.constant 2 : i32
        %add3A_173 = arith.addi %add3A_126, %add3A_172 : i32
        %mul3A_174 = arith.constant 8 : i32
        %mul3A_175 = arith.muli %mul3A_174, %add3A_173 : i32
        %dma_start3A_176 = arith.constant 0 : i32
        %dma_start3A_177 = tpu.memref_slice %arg2[%add3A, %mul3A_175, %dma_start3A_176] : memref<32x1025x1280xf32, #tpu.memory_space<hbm>> -> memref<1x8x1280xf32, #tpu.memory_space<hbm>>
        %dma_start3A_178 = tpu.memref_squeeze %dma_start3A_177 : memref<1x8x1280xf32, #tpu.memory_space<hbm>> -> memref<8x1280xf32, #tpu.memory_space<hbm>>
        %dma_start3A_179 = arith.constant 0 : i32
        %dma_start3A_180 = tpu.memref_slice %arg2[%add3A, %mul3A_175, %dma_start3A_179] : memref<32x1025x1280xf32, #tpu.memory_space<hbm>> -> memref<1x8x1280xf32, #tpu.memory_space<hbm>>
        %dma_start3A_181 = tpu.memref_squeeze %dma_start3A_180 : memref<1x8x1280xf32, #tpu.memory_space<hbm>> -> memref<8x1280xf32, #tpu.memory_space<hbm>>
        tpu.enqueue_dma source(%dma_start3A_181 : memref<8x1280xf32, #tpu.memory_space<hbm>>) target(%arg12 : memref<8x1280xf32, #tpu.memory_space<vmem>>) target_semaphore(%arg19 : memref<!tpu.dma_semaphore, #tpu.memory_space<semaphore_mem>>)
        %mul3A_182 = arith.constant 10240 : i32
        %mul3A_183 = arith.muli %add3A_173, %mul3A_182 : i32
        %add3A_184 = arith.addi %multiple_of3A, %mul3A_183 : i32
        %dma_start3A_185 = tpu.memref_slice %arg4[%add3A_184] : memref<47232000xf32, #tpu.memory_space<hbm>> -> memref<10240xf32, #tpu.memory_space<hbm>>
        %dma_start3A_186 = tpu.memref_slice %arg4[%add3A_184] : memref<47232000xf32, #tpu.memory_space<hbm>> -> memref<10240xf32, #tpu.memory_space<hbm>>
        tpu.enqueue_dma source(%dma_start3A_186 : memref<10240xf32, #tpu.memory_space<hbm>>) target(%arg13 : memref<10240xf32, #tpu.memory_space<vmem>>) target_semaphore(%arg23 : memref<!tpu.dma_semaphore, #tpu.memory_space<semaphore_mem>>)
        %mul3A_187 = arith.constant 8 : i32
        %mul3A_188 = arith.muli %mul3A_187, %add3A_173 : i32
        %dma_start3A_189 = arith.constant 0 : i32
        %dma_start3A_190 = tpu.memref_slice %arg3[%mul3A_188, %dma_start3A_189] : memref<1025x1280xf32, #tpu.memory_space<hbm>> -> memref<8x1280xf32, #tpu.memory_space<hbm>>
        %dma_start3A_191 = arith.constant 0 : i32
        %dma_start3A_192 = tpu.memref_slice %arg3[%mul3A_188, %dma_start3A_191] : memref<1025x1280xf32, #tpu.memory_space<hbm>> -> memref<8x1280xf32, #tpu.memory_space<hbm>>
        tpu.enqueue_dma source(%dma_start3A_192 : memref<8x1280xf32, #tpu.memory_space<hbm>>) target(%arg14 : memref<8x1280xf32, #tpu.memory_space<vmem>>) target_semaphore(%arg19 : memref<!tpu.dma_semaphore, #tpu.memory_space<semaphore_mem>>)
      } else {
      }
    }
    %scan3A_53 = arith.constant 64 : i32
    %dma_wait3A = arith.constant 0 : i32
    %dma_wait3A_54 = arith.constant 0 : i32
    %dma_wait3A_55 = tpu.memref_slice %arg7[%add3A, %dma_wait3A, %dma_wait3A_54] : memref<32x1025x1280xf32, #tpu.memory_space<hbm>> -> memref<1x8x1280xf32, #tpu.memory_space<hbm>>
    %dma_wait3A_56 = tpu.memref_squeeze %dma_wait3A_55 : memref<1x8x1280xf32, #tpu.memory_space<hbm>> -> memref<8x1280xf32, #tpu.memory_space<hbm>>
    %dma_wait3A_57 = arith.constant 0 : i32
    %dma_wait3A_58 = arith.constant 0 : i32
    %dma_wait3A_59 = tpu.memref_slice %arg7[%add3A, %dma_wait3A_57, %dma_wait3A_58] : memref<32x1025x1280xf32, #tpu.memory_space<hbm>> -> memref<1x8x1280xf32, #tpu.memory_space<hbm>>
    %dma_wait3A_60 = tpu.memref_squeeze %dma_wait3A_59 : memref<1x8x1280xf32, #tpu.memory_space<hbm>> -> memref<8x1280xf32, #tpu.memory_space<hbm>>
    tpu.wait_dma2 semaphore(%arg20 : memref<!tpu.dma_semaphore, #tpu.memory_space<semaphore_mem>>) src(%arg11 : memref<8x1280xf32, #tpu.memory_space<vmem>>) dst(%dma_wait3A_60 : memref<8x1280xf32, #tpu.memory_space<hbm>>)
    %dma_wait3A_61 = arith.constant 0 : i32
    %dma_wait3A_62 = arith.constant 0 : i32
    %dma_wait3A_63 = tpu.memref_slice %arg7[%add3A, %dma_wait3A_61, %dma_wait3A_62] : memref<32x1025x1280xf32, #tpu.memory_space<hbm>> -> memref<1x8x1280xf32, #tpu.memory_space<hbm>>
    %dma_wait3A_64 = tpu.memref_squeeze %dma_wait3A_63 : memref<1x8x1280xf32, #tpu.memory_space<hbm>> -> memref<8x1280xf32, #tpu.memory_space<hbm>>
    %dma_wait3A_65 = arith.constant 0 : i32
    %dma_wait3A_66 = arith.constant 0 : i32
    %dma_wait3A_67 = tpu.memref_slice %arg7[%add3A, %dma_wait3A_65, %dma_wait3A_66] : memref<32x1025x1280xf32, #tpu.memory_space<hbm>> -> memref<1x8x1280xf32, #tpu.memory_space<hbm>>
    %dma_wait3A_68 = tpu.memref_squeeze %dma_wait3A_67 : memref<1x8x1280xf32, #tpu.memory_space<hbm>> -> memref<8x1280xf32, #tpu.memory_space<hbm>>
    tpu.wait_dma2 semaphore(%arg21 : memref<!tpu.dma_semaphore, #tpu.memory_space<semaphore_mem>>) src(%arg15 : memref<8x1280xf32, #tpu.memory_space<vmem>>) dst(%dma_wait3A_68 : memref<8x1280xf32, #tpu.memory_space<hbm>>)
    "tpu.region"() ({
      %run_scoped3A = tpu.sem_alloc : memref<!tpu.dma_semaphore, #tpu.memory_space<semaphore_mem>>
      %dma_start3A_77 = arith.constant 0 : i32
      %dma_start3A_78 = arith.constant 0 : i32
      %dma_start3A_79 = tpu.memref_slice %arg8[%dma_start3A_77, %dma_start3A_78] : memref<8x1280xf32, #tpu.memory_space<vmem>> -> memref<1x1280xf32, #tpu.memory_space<vmem>>
      %dma_start3A_80 = arith.constant 1024 : i32
      %dma_start3A_81 = arith.constant 0 : i32
      %dma_start3A_82 = tpu.memref_slice %arg2[%add3A, %dma_start3A_80, %dma_start3A_81] : memref<32x1025x1280xf32, #tpu.memory_space<hbm>> -> memref<1x1x1280xf32, #tpu.memory_space<hbm>>
      %dma_start3A_83 = tpu.memref_squeeze %dma_start3A_82 : memref<1x1x1280xf32, #tpu.memory_space<hbm>> -> memref<1x1280xf32, #tpu.memory_space<hbm>>
      %dma_start3A_84 = arith.constant 0 : i32
      %dma_start3A_85 = arith.constant 0 : i32
      %dma_start3A_86 = tpu.memref_slice %arg8[%dma_start3A_84, %dma_start3A_85] : memref<8x1280xf32, #tpu.memory_space<vmem>> -> memref<1x1280xf32, #tpu.memory_space<vmem>>
      %dma_start3A_87 = arith.constant 1024 : i32
      %dma_start3A_88 = arith.constant 0 : i32
      %dma_start3A_89 = tpu.memref_slice %arg2[%add3A, %dma_start3A_87, %dma_start3A_88] : memref<32x1025x1280xf32, #tpu.memory_space<hbm>> -> memref<1x1x1280xf32, #tpu.memory_space<hbm>>
      %dma_start3A_90 = tpu.memref_squeeze %dma_start3A_89 : memref<1x1x1280xf32, #tpu.memory_space<hbm>> -> memref<1x1280xf32, #tpu.memory_space<hbm>>
      tpu.enqueue_dma source(%dma_start3A_90 : memref<1x1280xf32, #tpu.memory_space<hbm>>) target(%dma_start3A_86 : memref<1x1280xf32, #tpu.memory_space<vmem>>) target_semaphore(%run_scoped3A : memref<!tpu.dma_semaphore, #tpu.memory_space<semaphore_mem>>)
      %dma_wait3A_91 = arith.constant 0 : i32
      %dma_wait3A_92 = arith.constant 0 : i32
      %dma_wait3A_93 = tpu.memref_slice %arg8[%dma_wait3A_91, %dma_wait3A_92] : memref<8x1280xf32, #tpu.memory_space<vmem>> -> memref<1x1280xf32, #tpu.memory_space<vmem>>
      %dma_wait3A_94 = arith.constant 1024 : i32
      %dma_wait3A_95 = arith.constant 0 : i32
      %dma_wait3A_96 = tpu.memref_slice %arg2[%add3A, %dma_wait3A_94, %dma_wait3A_95] : memref<32x1025x1280xf32, #tpu.memory_space<hbm>> -> memref<1x1x1280xf32, #tpu.memory_space<hbm>>
      %dma_wait3A_97 = tpu.memref_squeeze %dma_wait3A_96 : memref<1x1x1280xf32, #tpu.memory_space<hbm>> -> memref<1x1280xf32, #tpu.memory_space<hbm>>
      %dma_wait3A_98 = arith.constant 0 : i32
      %dma_wait3A_99 = arith.constant 0 : i32
      %dma_wait3A_100 = tpu.memref_slice %arg8[%dma_wait3A_98, %dma_wait3A_99] : memref<8x1280xf32, #tpu.memory_space<vmem>> -> memref<1x1280xf32, #tpu.memory_space<vmem>>
      %dma_wait3A_101 = arith.constant 1024 : i32
      %dma_wait3A_102 = arith.constant 0 : i32
      %dma_wait3A_103 = tpu.memref_slice %arg2[%add3A, %dma_wait3A_101, %dma_wait3A_102] : memref<32x1025x1280xf32, #tpu.memory_space<hbm>> -> memref<1x1x1280xf32, #tpu.memory_space<hbm>>
      %dma_wait3A_104 = tpu.memref_squeeze %dma_wait3A_103 : memref<1x1x1280xf32, #tpu.memory_space<hbm>> -> memref<1x1280xf32, #tpu.memory_space<hbm>>
      tpu.wait_dma2 semaphore(%run_scoped3A : memref<!tpu.dma_semaphore, #tpu.memory_space<semaphore_mem>>) src(%dma_wait3A_104 : memref<1x1280xf32, #tpu.memory_space<hbm>>) dst(%dma_wait3A_100 : memref<1x1280xf32, #tpu.memory_space<vmem>>)
      tpu.yield
    }) : () -> ()
    %add3A_69 = arith.constant 1310720 : i32
    %add3A_70 = arith.addi %multiple_of3A, %add3A_69 : i32
    "tpu.region"() ({
      %run_scoped3A = tpu.sem_alloc : memref<!tpu.dma_semaphore, #tpu.memory_space<semaphore_mem>>
      %dma_start3A_77 = arith.constant 0 : i32
      %dma_start3A_78 = tpu.memref_slice %arg9[%dma_start3A_77] : memref<10240xf32, #tpu.memory_space<vmem>> -> memref<1280xf32, #tpu.memory_space<vmem>>
      %dma_start3A_79 = tpu.memref_slice %arg4[%add3A_70] : memref<47232000xf32, #tpu.memory_space<hbm>> -> memref<1280xf32, #tpu.memory_space<hbm>>
      %dma_start3A_80 = arith.constant 0 : i32
      %dma_start3A_81 = tpu.memref_slice %arg9[%dma_start3A_80] : memref<10240xf32, #tpu.memory_space<vmem>> -> memref<1280xf32, #tpu.memory_space<vmem>>
      %dma_start3A_82 = tpu.memref_slice %arg4[%add3A_70] : memref<47232000xf32, #tpu.memory_space<hbm>> -> memref<1280xf32, #tpu.memory_space<hbm>>
      tpu.enqueue_dma source(%dma_start3A_82 : memref<1280xf32, #tpu.memory_space<hbm>>) target(%dma_start3A_81 : memref<1280xf32, #tpu.memory_space<vmem>>) target_semaphore(%run_scoped3A : memref<!tpu.dma_semaphore, #tpu.memory_space<semaphore_mem>>)
      %dma_wait3A_83 = arith.constant 0 : i32
      %dma_wait3A_84 = tpu.memref_slice %arg9[%dma_wait3A_83] : memref<10240xf32, #tpu.memory_space<vmem>> -> memref<1280xf32, #tpu.memory_space<vmem>>
      %dma_wait3A_85 = tpu.memref_slice %arg4[%add3A_70] : memref<47232000xf32, #tpu.memory_space<hbm>> -> memref<1280xf32, #tpu.memory_space<hbm>>
      %dma_wait3A_86 = arith.constant 0 : i32
      %dma_wait3A_87 = tpu.memref_slice %arg9[%dma_wait3A_86] : memref<10240xf32, #tpu.memory_space<vmem>> -> memref<1280xf32, #tpu.memory_space<vmem>>
      %dma_wait3A_88 = tpu.memref_slice %arg4[%add3A_70] : memref<47232000xf32, #tpu.memory_space<hbm>> -> memref<1280xf32, #tpu.memory_space<hbm>>
      tpu.wait_dma2 semaphore(%run_scoped3A : memref<!tpu.dma_semaphore, #tpu.memory_space<semaphore_mem>>) src(%dma_wait3A_88 : memref<1280xf32, #tpu.memory_space<hbm>>) dst(%dma_wait3A_87 : memref<1280xf32, #tpu.memory_space<vmem>>)
      tpu.yield
    }) : () -> ()
    "tpu.region"() ({
      %run_scoped3A = tpu.sem_alloc : memref<!tpu.dma_semaphore, #tpu.memory_space<semaphore_mem>>
      %dma_start3A_77 = arith.constant 0 : i32
      %dma_start3A_78 = arith.constant 0 : i32
      %dma_start3A_79 = tpu.memref_slice %arg10[%dma_start3A_77, %dma_start3A_78] : memref<8x1280xf32, #tpu.memory_space<vmem>> -> memref<1x1280xf32, #tpu.memory_space<vmem>>
      %dma_start3A_80 = arith.constant 1024 : i32
      %dma_start3A_81 = arith.constant 0 : i32
      %dma_start3A_82 = tpu.memref_slice %arg3[%dma_start3A_80, %dma_start3A_81] : memref<1025x1280xf32, #tpu.memory_space<hbm>> -> memref<1x1280xf32, #tpu.memory_space<hbm>>
      %dma_start3A_83 = arith.constant 0 : i32
      %dma_start3A_84 = arith.constant 0 : i32
      %dma_start3A_85 = tpu.memref_slice %arg10[%dma_start3A_83, %dma_start3A_84] : memref<8x1280xf32, #tpu.memory_space<vmem>> -> memref<1x1280xf32, #tpu.memory_space<vmem>>
      %dma_start3A_86 = arith.constant 1024 : i32
      %dma_start3A_87 = arith.constant 0 : i32
      %dma_start3A_88 = tpu.memref_slice %arg3[%dma_start3A_86, %dma_start3A_87] : memref<1025x1280xf32, #tpu.memory_space<hbm>> -> memref<1x1280xf32, #tpu.memory_space<hbm>>
      tpu.enqueue_dma source(%dma_start3A_88 : memref<1x1280xf32, #tpu.memory_space<hbm>>) target(%dma_start3A_85 : memref<1x1280xf32, #tpu.memory_space<vmem>>) target_semaphore(%run_scoped3A : memref<!tpu.dma_semaphore, #tpu.memory_space<semaphore_mem>>)
      %dma_wait3A_89 = arith.constant 0 : i32
      %dma_wait3A_90 = arith.constant 0 : i32
      %dma_wait3A_91 = tpu.memref_slice %arg10[%dma_wait3A_89, %dma_wait3A_90] : memref<8x1280xf32, #tpu.memory_space<vmem>> -> memref<1x1280xf32, #tpu.memory_space<vmem>>
      %dma_wait3A_92 = arith.constant 1024 : i32
      %dma_wait3A_93 = arith.constant 0 : i32
      %dma_wait3A_94 = tpu.memref_slice %arg3[%dma_wait3A_92, %dma_wait3A_93] : memref<1025x1280xf32, #tpu.memory_space<hbm>> -> memref<1x1280xf32, #tpu.memory_space<hbm>>
      %dma_wait3A_95 = arith.constant 0 : i32
      %dma_wait3A_96 = arith.constant 0 : i32
      %dma_wait3A_97 = tpu.memref_slice %arg10[%dma_wait3A_95, %dma_wait3A_96] : memref<8x1280xf32, #tpu.memory_space<vmem>> -> memref<1x1280xf32, #tpu.memory_space<vmem>>
      %dma_wait3A_98 = arith.constant 1024 : i32
      %dma_wait3A_99 = arith.constant 0 : i32
      %dma_wait3A_100 = tpu.memref_slice %arg3[%dma_wait3A_98, %dma_wait3A_99] : memref<1025x1280xf32, #tpu.memory_space<hbm>> -> memref<1x1280xf32, #tpu.memory_space<hbm>>
      tpu.wait_dma2 semaphore(%run_scoped3A : memref<!tpu.dma_semaphore, #tpu.memory_space<semaphore_mem>>) src(%dma_wait3A_100 : memref<1x1280xf32, #tpu.memory_space<hbm>>) dst(%dma_wait3A_97 : memref<1x1280xf32, #tpu.memory_space<vmem>>)
      tpu.yield
    }) : () -> ()
    %scan3A_71 = arith.constant 0 : i32
    %scan3A_72 = arith.constant 0 : i32
    %scan3A_73 = arith.constant 80 : i32
    %scan3A_74 = arith.addi %scan3A_72, %scan3A_73 : i32
    %scan3A_75 = arith.constant 1 : i32
    scf.for %scan3A_77 = %scan3A_72 to %scan3A_74 step %scan3A_75  : i32 {
      %mul3A_78 = arith.constant 16 : i32
      %mul3A_79 = arith.muli %mul3A_78, %scan3A_77 : i32
      %get3A_80 = arith.constant 0 : i32
      %get3A_81 = arith.index_cast %get3A_80 : i32 to index
      %get3A_82 = arith.index_cast %mul3A_79 : i32 to index
      %get3A_83 = tpu.vector_load %arg8[%get3A_81, %get3A_82] {strides = array<i32>} : memref<8x1280xf32, #tpu.memory_space<vmem>>, vector<1x16xf32>,
      %get3A_84 = vector.shape_cast %get3A_83 : vector<1x16xf32> to vector<16xf32>
      %get3A_85 = arith.constant 0 : i32
      %get3A_86 = arith.index_cast %get3A_85 : i32 to index
      %get3A_87 = arith.index_cast %mul3A_79 : i32 to index
      %get3A_88 = tpu.vector_load %arg10[%get3A_86, %get3A_87] {strides = array<i32>} : memref<8x1280xf32, #tpu.memory_space<vmem>>, vector<1x16xf32>,
      %get3A_89 = vector.shape_cast %get3A_88 : vector<1x16xf32> to vector<16xf32>
      %mul3A_90 = arith.mulf %get3A_4, %get3A_89 : vector<16xf32>
      %add3A_91 = arith.addf %get3A_84, %mul3A_90 : vector<16xf32>
      %mul3A_92 = arith.constant 16 : i32
      %mul3A_93 = arith.muli %mul3A_92, %scan3A_77 : i32
      %get3A_94 = arith.index_cast %mul3A_93 : i32 to index
      %get3A_95 = tpu.vector_load %arg9[%get3A_94] {strides = array<i32>} : memref<10240xf32, #tpu.memory_space<vmem>>, vector<16xf32>,
      %get3A_96 = vector.shape_cast %get3A_95 : vector<16xf32> to vector<16xf32>
      %mul3A_97 = arith.mulf %get3A_9, %get3A_96 : vector<16xf32>
      %add3A_98 = arith.addf %add3A_91, %mul3A_97 : vector<16xf32>
      %swap3A = arith.constant 0 : i32
      %swap3A_99 = arith.index_cast %swap3A : i32 to index
      %swap3A_100 = arith.index_cast %mul3A_79 : i32 to index
      %swap3A_101 = tpu.vector_load %arg11[%swap3A_99, %swap3A_100] {strides = array<i32>} : memref<8x1280xf32, #tpu.memory_space<vmem>>, vector<1x16xf32>,
      %swap3A_102 = vector.shape_cast %swap3A_101 : vector<1x16xf32> to vector<16xf32>
      %swap3A_103 = vector.shape_cast %add3A_98 : vector<16xf32> to vector<1x16xf32>
      tpu.vector_store %arg11[%swap3A_99, %swap3A_100], %swap3A_103 {strides = array<i32>} : memref<8x1280xf32, #tpu.memory_space<vmem>>, vector<1x16xf32>,
    }
    %scan3A_76 = arith.constant 80 : i32
    "tpu.region"() ({
      %run_scoped3A = tpu.sem_alloc : memref<!tpu.dma_semaphore, #tpu.memory_space<semaphore_mem>>
      %dma_start3A_77 = arith.constant 0 : i32
      %dma_start3A_78 = arith.constant 0 : i32
      %dma_start3A_79 = tpu.memref_slice %arg11[%dma_start3A_77, %dma_start3A_78] : memref<8x1280xf32, #tpu.memory_space<vmem>> -> memref<1x1280xf32, #tpu.memory_space<vmem>>
      %dma_start3A_80 = arith.constant 1024 : i32
      %dma_start3A_81 = arith.constant 0 : i32
      %dma_start3A_82 = tpu.memref_slice %arg7[%add3A, %dma_start3A_80, %dma_start3A_81] : memref<32x1025x1280xf32, #tpu.memory_space<hbm>> -> memref<1x1x1280xf32, #tpu.memory_space<hbm>>
      %dma_start3A_83 = tpu.memref_squeeze %dma_start3A_82 : memref<1x1x1280xf32, #tpu.memory_space<hbm>> -> memref<1x1280xf32, #tpu.memory_space<hbm>>
      %dma_start3A_84 = arith.constant 1024 : i32
      %dma_start3A_85 = arith.constant 0 : i32
      %dma_start3A_86 = tpu.memref_slice %arg7[%add3A, %dma_start3A_84, %dma_start3A_85] : memref<32x1025x1280xf32, #tpu.memory_space<hbm>> -> memref<1x1x1280xf32, #tpu.memory_space<hbm>>
      %dma_start3A_87 = tpu.memref_squeeze %dma_start3A_86 : memref<1x1x1280xf32, #tpu.memory_space<hbm>> -> memref<1x1280xf32, #tpu.memory_space<hbm>>
      %dma_start3A_88 = arith.constant 0 : i32
      %dma_start3A_89 = arith.constant 0 : i32
      %dma_start3A_90 = tpu.memref_slice %arg11[%dma_start3A_88, %dma_start3A_89] : memref<8x1280xf32, #tpu.memory_space<vmem>> -> memref<1x1280xf32, #tpu.memory_space<vmem>>
      tpu.enqueue_dma source(%dma_start3A_90 : memref<1x1280xf32, #tpu.memory_space<vmem>>) target(%dma_start3A_87 : memref<1x1280xf32, #tpu.memory_space<hbm>>) target_semaphore(%run_scoped3A : memref<!tpu.dma_semaphore, #tpu.memory_space<semaphore_mem>>)
      %dma_wait3A_91 = arith.constant 0 : i32
      %dma_wait3A_92 = arith.constant 0 : i32
      %dma_wait3A_93 = tpu.memref_slice %arg11[%dma_wait3A_91, %dma_wait3A_92] : memref<8x1280xf32, #tpu.memory_space<vmem>> -> memref<1x1280xf32, #tpu.memory_space<vmem>>
      %dma_wait3A_94 = arith.constant 1024 : i32
      %dma_wait3A_95 = arith.constant 0 : i32
      %dma_wait3A_96 = tpu.memref_slice %arg7[%add3A, %dma_wait3A_94, %dma_wait3A_95] : memref<32x1025x1280xf32, #tpu.memory_space<hbm>> -> memref<1x1x1280xf32, #tpu.memory_space<hbm>>
      %dma_wait3A_97 = tpu.memref_squeeze %dma_wait3A_96 : memref<1x1x1280xf32, #tpu.memory_space<hbm>> -> memref<1x1280xf32, #tpu.memory_space<hbm>>
      %dma_wait3A_98 = arith.constant 1024 : i32
      %dma_wait3A_99 = arith.constant 0 : i32
      %dma_wait3A_100 = tpu.memref_slice %arg7[%add3A, %dma_wait3A_98, %dma_wait3A_99] : memref<32x1025x1280xf32, #tpu.memory_space<hbm>> -> memref<1x1x1280xf32, #tpu.memory_space<hbm>>
      %dma_wait3A_101 = tpu.memref_squeeze %dma_wait3A_100 : memref<1x1x1280xf32, #tpu.memory_space<hbm>> -> memref<1x1280xf32, #tpu.memory_space<hbm>>
      %dma_wait3A_102 = arith.constant 0 : i32
      %dma_wait3A_103 = arith.constant 0 : i32
      %dma_wait3A_104 = tpu.memref_slice %arg11[%dma_wait3A_102, %dma_wait3A_103] : memref<8x1280xf32, #tpu.memory_space<vmem>> -> memref<1x1280xf32, #tpu.memory_space<vmem>>
      tpu.wait_dma2 semaphore(%run_scoped3A : memref<!tpu.dma_semaphore, #tpu.memory_space<semaphore_mem>>) src(%dma_wait3A_104 : memref<1x1280xf32, #tpu.memory_space<vmem>>) dst(%dma_wait3A_101 : memref<1x1280xf32, #tpu.memory_space<hbm>>)
      tpu.yield
    }) : () -> ()
    return
  }
}

</mosaic_0001>

<sc_bundles>
// kernel: kernel.3.cloned.1.call-start
scs
__scs_entry_jumppad:
0x0: {  	(pc) =	sbr.rel $0x88, $3  }
0x1: {  	(tag) =	ssettag $0x0;
	lr =	simm.s32 $0x1  }
0x2: {  	[smem:$0x3F9B] =	sst lr;
	_ =	strace $0xD0000000  }
0x3: {  	_ = 	snop  }
0x4: {  	_ = 	snop  }
0x5: {  	_ = 	snop  }
0x6: {  	_ = 	snop  }
0x7: {  	_ = 	snop  }
__scs_overlays_trampoline_lowered:
0x8: {  	[smem:$0x3FAA] =	sst s0  }
0x9: {  	[smem:$0x3FAB] =	sst s1  }
0xa: {  	[smem:$0x3FAC] =	sst s2  }
0xb: {  	[smem:$0x3FAD] =	sst s3  }
0xc: {  	[smem:$0x3FAE] =	sst s4  }
0xd: {  	[smem:$0x3FAF] =	sst s5  }
0xe: {  	[smem:$0x3FB0] =	sst s6  }
0xf: {  	[smem:$0x3FB1] =	sst s7  }
0x10: {  	[smem:$0x3FB2] =	sst s8  }
0x11: {  	[smem:$0x3FB3] =	sst s9;
	s0 =	simm.s32 @!p0 $0x0  }
0x12: {  	s1 =	sld [smem:$0x3F99];
	s0 =	simm.s32 @p0 $0x1  }
0x13: {  	[smem:$0x3FB4] =	sst s0;
	s0 =	simm.s32 @!p1 $0x0  }
0x14: {  	s2 =	sld [smem:$0x3F98];
	s0 =	simm.s32 @p1 $0x1  }
0x15: {  	[smem:$0x3FB5] =	sst s0;
	s0 =	simm.s32 @!p2 $0x0  }
0x16: {  	s3 =	sld [smem:$0x3FDB];
	s0 =	simm.s32 @p2 $0x1  }
0x17: {  	s4 =	simm.s32 $0x1BF5;
	[smem:$0x3FB7] =	sst s0  }
0x18: {  	s0 =	sld [smem:$0x3F9A];
	_ =	swait.ge [sflag:s4], $0x0  }
0x19: {  	s7 =	sld [smem:$0x3F9B]  }
0x1a: {  	s8 =	sadd.s32 $0xFFFFE003, lr  }
0x1b: {  	s9 =	sadd.s32 $0xFFFFFEF7, lr;
	s5 =	simm.s32 $0xFFFFFFFF;
	p2 =	slt.u32 s8, $0xFFFFF086  }
0x1c: {  	p1 =	slt.u32 s9, $0xF7A;
	s5 =	simm.s32 @!p2 $0x0  }
0x1d: {  	s5 =	simm.s32 @p1 $0x1;
	p0 =	seq.s32 s7, s2  }
0x1e: {  	s7 =	smul.u32 @!p0 $0xF7A, s2;
	p2 =	seq.s32 @!p0 s5, $0x0  }
0x1f: {  	s9 =	smul.u32 $0xF7A, s1;
	s8 =	simm.s32 @!p0 $0x1BF5;
	p2 =	por !p2, p0  }
0x20: {  	[sflag:s8] =	ssyncset.s32 @!p0 $0xFFFFF086;
	s6 =	sadd.s32 @!p0 s3, s7;
	s7 =	simm.s32 @!p0 $0x108  }
0x21: {  	s3 =	sadd.s32 s3, s9;
	s6 =	sadd.s32 @!p0 $0x88, s6;
	s7 =	simm.s32 @p2 $0x1082  }
0x22: {  	[simem:s7], [sflag:s8] =	dma.local @!p0 [hbm:s6], $0xF7A  }
0x23: {  	s9 =	sor.u32 $0xD0000000, s2;
	s6 =	simm.s32 $0x108;
	_ =	swait.ge @!p0 [sflag:s8], $0x0  }
0x24: {  	s3 =	sadd.s32 $0x88, s3;
	s6 =	simm.s32 @!p1 $0x1082;
	[sflag:s4] =	ssyncset.s32 $0xFFFFF086  }
0x25: {  	[simem:s6], [sflag:s4] =	dma.local [hbm:s3], $0xF7A  }
0x26: {  	[smem:$0x3F9B] =	sst s1;
	(tag) =	ssettag s2;
	_ =	strace s9  }
0x27: {  	s1 =	sld [smem:$0x3FAB]  }
0x28: {  	s2 =	sld [smem:$0x3FAC]  }
0x29: {  	s4 =	sld [smem:$0x3FAE]  }
0x2a: {  	p0 =	seq.s32 s5, $0x0;
	s5 =	sld [smem:$0x3FAF]  }
0x2b: {  	s6 =	sld [smem:$0x3FB0]  }
0x2c: {  	s7 =	sld [smem:$0x3FB1]  }
0x2d: {  	s3 =	simm.s32 $0x108;
	s8 =	sld [smem:$0x3FB2]  }
0x2e: {  	s3 =	simm.s32 @!p0 $0x1082;
	s9 =	sld [smem:$0x3FB3]  }
0x2f: {  	lr =	sadd.s32 s0, s3;
	s0 =	sld [smem:$0x3FAA]  }
0x30: {  	s3 =	sld [smem:$0x3FAD]  }
0x31: {  	[smem:$0x3FB6] =	sst s10  }
0x32: {  	s10 =	sld [smem:$0x3FB4];
	_ =	sdelay $0x3  }
0x33: {  	p0 =	seq.s32 s10, $0x1;
	s10 =	sld [smem:$0x3FB6];
	_ =	sdelay $0x3  }
0x34: {  	[smem:$0x3FB6] =	sst s10  }
0x35: {  	s10 =	sld [smem:$0x3FB5];
	_ =	sdelay $0x3  }
0x36: {  	p1 =	seq.s32 s10, $0x1;
	s10 =	sld [smem:$0x3FB6];
	_ =	sdelay $0x3  }
0x37: {  	[smem:$0x3FB6] =	sst s10  }
0x38: {  	s10 =	sld [smem:$0x3FB7]  }
0x39: {  	_ = 	snop;
	(pc) =	sbr.ind lr, $3  }
0x3a: {  	_ = 	snop  }
0x3b: {  	_ = 	snop  }
0x3c: {  	p2 =	seq.s32 s10, $0x1;
	s10 =	sld [smem:$0x3FB6]  }
0x3d: {  	_ =	shalt  }
0x3e: {  	_ =	shalt  }
0x3f: {  	_ =	shalt  }
0x40: {  	_ =	shalt  }
0x41: {  	_ =	shalt  }
0x42: {  	_ =	shalt  }
0x43: {  	_ =	shalt  }
0x44: {  	_ =	shalt  }
0x45: {  	_ =	shalt  }
0x46: {  	_ =	shalt  }
0x47: {  	_ =	shalt  }
0x48: {  	_ =	shalt  }
0x49: {  	_ =	shalt  }
0x4a: {  	_ =	shalt  }
0x4b: {  	_ =	shalt  }
0x4c: {  	_ =	shalt  }
0x4d: {  	_ =	shalt  }
0x4e: {  	_ =	shalt  }
0x4f: {  	_ =	shalt  }
0x50: {  	_ =	shalt  }
0x51: {  	_ =	shalt  }
0x52: {  	_ =	shalt  }
0x53: {  	_ =	shalt  }
0x54: {  	_ =	shalt  }
0x55: {  	_ =	shalt  }
0x56: {  	_ =	shalt  }
0x57: {  	_ =	shalt  }
0x58: {  	_ =	shalt  }
0x59: {  	_ =	shalt  }
0x5a: {  	_ =	shalt  }
0x5b: {  	_ =	shalt  }
0x5c: {  	_ =	shalt  }
0x5d: {  	_ =	shalt  }
0x5e: {  	_ =	shalt  }
0x5f: {  	_ =	shalt  }
0x60: {  	_ =	shalt  }
0x61: {  	_ =	shalt  }
0x62: {  	_ =	shalt  }
0x63: {  	_ =	shalt  }
0x64: {  	_ =	shalt  }
0x65: {  	_ =	shalt  }
0x66: {  	_ =	shalt  }
0x67: {  	_ =	shalt  }
0x68: {  	_ =	shalt  }
0x69: {  	_ =	shalt  }
0x6a: {  	_ =	shalt  }
0x6b: {  	_ =	shalt  }
0x6c: {  	_ =	shalt  }
0x6d: {  	_ =	shalt  }
0x6e: {  	_ =	shalt  }
0x6f: {  	_ =	shalt  }
0x70: {  	_ =	shalt  }
0x71: {  	_ =	shalt  }
0x72: {  	_ =	shalt  }
0x73: {  	_ =	shalt  }
0x74: {  	_ =	shalt  }
0x75: {  	_ =	shalt  }
0x76: {  	_ =	shalt  }
0x77: {  	_ =	shalt  }
0x78: {  	_ =	shalt  }
0x79: {  	_ =	shalt  }
0x7a: {  	_ =	shalt  }
0x7b: {  	_ =	shalt  }
0x7c: {  	_ =	shalt  }
0x7d: {  	_ =	shalt  }
0x7e: {  	_ =	shalt  }
0x7f: {  	_ =	shalt  }
0x80: {  	_ =	shalt  }
0x81: {  	_ =	shalt  }
0x82: {  	_ =	shalt  }
0x83: {  	_ =	shalt  }
0x84: {  	_ =	shalt  }
0x85: {  	_ =	shalt  }
0x86: {  	_ =	shalt  }
0x87: {  	_ =	shalt  }
.Lfunc_end0:
.L_simem_size_0:
called_computation_lowered:
.L_overlay_start_0:
0x88: {  	s2 =	sld [smem:$0x3FD9]  }
0x89: {  	s3 =	sld [smem:$0x3FFE];
	_ =	sdelay $0x1  }
0x8a: {  	s1 =	srdreg.scid  }
0x8b: {  	s0 =	sand.u32 $0x1, s1  }
0x8c: {  	s17 =	sshll.u32 s0, $0xA;
	s2 =	sadd.s32 s3, s2  }
0x8d: {  	s2 =	sadd.s32 s2, s17  }
0x8e: {  	[smem:$0x3FC2] =	sst s2  }
0x8f: {  	_ = 	snop  }
0x90: {  	s2 =	sld [smem:$0x3FC6]  }
0x91: {  	s18 =	sld [smem:$0x3FD0];
	(tm) =	ssettm $0x1  }
0x92: {  	s4 =	sld [smem:$0x3FFB];
	_ =	sdelay $0x3  }
0x93: {  	_ =	strace s4  }
0x94: {  	s4 =	sld [smem:$0x3FFC];
	_ =	sdelay $0x3  }
0x95: {  	_ =	strace s4  }
0x96: {  	s4 =	sld [smem:$0x3FFD];
	_ =	sdelay $0x3  }
0x97: {  	_ =	strace s4  }
0x98: {  	_ =	strace $0x8FFFFFFF  }
0x99: {  	s19 =	sld [smem:$0x3FDB];
	_ =	sdelay $0x1  }
0x9a: {  	s5 =	simm.s32 $_scs_section_size  }
0x9b: {  	s6 =	simm.s32 $_size__tile_overlayer_lowered;
	s7 =	simm.s32 $_tile_overlayer_lowered  }
0x9c: {  	s22 =	simm.s32 $0x1BFF;
	s21 =	sshll.u32 s7, $0x1;
	s4 =	sadd.s32 s5, s19  }
0x9d: {  	s8 =	simm.s32 $0x0;
	s20 =	sshll.u32 s6, $0x1;
	s6 =	sadd.s32 s21, s4  }
0x9e: {  	[timem:s8], [sflag:s22] =	dma.local [hbm:s6], s20  }
0x9f: {  	_ =	swait.ge [sflag:s22], s20  }
0xa0: {  	s5 =	ssub.s32 $0x0, s20;
	[sflag:s22] =	ssyncset.done $0x0  }
0xa1: {  	[sflag:s22] =	ssyncadd.s32 s5;
	_ =	sdelay $0x1  }
0xa2: {  	s23 =	simm.s32 $0x1B8B  }
0xa3: {  	_ =	swait.ge [sflag:s23], $0x1  }
0xa4: {  	[sflag:s23] =	ssyncset.done $0x0  }
0xa5: {  	s25 =	simm.s32 $0x1B8E;
	s24 =	sld [smem:$0x3FFE];
	[sflag:s23] =	ssyncadd.s32 $0xFFFFFFFF  }
0xa6: {  	s26 =	simm.s32 $execute0_lowered;
	[smem:$0x3FD2] =	sst s25  }
0xa7: {  	s6 =	sshll.u32 s26, $0x1;
	_ =	strace $0x80000046;
	[dreg:$0x1] =	wrdreg $0xFFFFFFFF  }
0xa8: {  	s28 =	simm.s32 $_size_execute0_lowered;
	s4 =	sadd.s32 s4, s6;
	[dreg:$0x0] =	wrdreg $0x0  }
0xa9: {  	s6 =	sshll.u32 s28, $0x1;
	[dreg:$0x2] =	wrdreg s4  }
0xaa: {  	[dreg:$0x3] =	wrdreg s6  }
0xab: {  	[dreg:$0x4] =	wrdreg $0xC0  }
0xac: {  	_ =	task [dreg:s8], $0x5FFFF  }
0xad: {  	[dreg:$0x1] =	wrdreg $0xFFFFFFFF  }
0xae: {  	[dreg:$0x0] =	wrdreg $0x60  }
0xaf: {  	[dreg:$0x2] =	wrdreg s24  }
0xb0: {  	[dreg:$0x3] =	wrdreg s2  }
0xb1: {  	[dreg:$0x4] =	wrdreg s18  }
0xb2: {  	[dreg:$0x5] =	wrdreg $0x9  }
0xb3: {  	_ =	task.clear_ibuf [dreg:s8], $0x6FFFF;
	_ =	strace $0x90000046  }
0xb4: {  	s29 =	simm.s32 $0x9;
	_ =	strace $0x80000048  }
0xb5: {  	_ =	swait.ge [sflag:s29], $0x1  }
0xb6: {  	[sflag:s29] =	ssyncadd.s32 $0xFFFFFFFF  }
0xb7: {  	_ =	strace $0x90000048  }
0xb8: {  	_ =	sfence  }
0xb9: {  	s30 =	sld [smem:$0x0];
	_ =	sdelay $0x2  }
0xba: {  	s31 =	sshll.u32 s1, $0xD;
	s1 =	sshrl.u32 s1, $0x2  }
0xbb: {  	s3 =	sand.u32 $0x4000, s31;
	s1 =	sadd.s32 s1, s30  }
0xbc: {  	s0 =	sor.u32 s3, s0;
	s1 =	sshll.u32 s1, $0x11  }
0xbd: {  	s0 =	sor.u32 s1, s0  }
0xbe: {  	s0 =	sadd.s32 $0x8F2B, s0  }
0xbf: {  	[sflag:s0] =	ssyncadd.remote.s32 $0x1  }
0xc0: {  	_ =	sfence.sel $0xFFFF  }
0xc1: {  	[dreg:$0x0] =	wrdreg $0xFFFFFFFF;
	(pc) =	sbr.abs _section_cstart, $3  }
0xc2: {  	[dreg:$0x1] =	wrdreg $0xFFFFFFFF  }
0xc3: {  	_ =	task.clear_ibuf [dreg:s8], $0x2FFFF;
	_ =	strace $0x9FFFFFFF  }
0xc4: {  	(tm) =	ssettm $0x7FFFFFFF  }
0xc5: {  	_ =	shalt  }
tec
execute0_lowered:
.L_overlay_start_1:
0x0: {  	(tag) =	ssettag $0x1  }
0x1: {  	s0 =	rddreg [dreg:$0x0]  }
0x2: {  	s1 =	rddreg [dreg:$0x1];
	s2 =	srdreg.scid;
	s4 =	simm.s32 $0x0  }
0x3: {  	s11 =	stileid.u32;
	s28 =	simm.s32 $0xF000;
	s29 =	simm.s32 $0x1  }
0x4: {  	s30 =	simm.s32 $0x5;
	s31 =	simm.s32 $0x7800;
	s2 =	sand.u32 $0x1, s2  }
0x5: {  	[smem:$0x7FF] =	sst s4;
	s5 =	sadd.s32 $0x5A2400, s0;
	s7 =	sadd.s32 $0x800, s0  }
0x6: {  	s8 =	sadd.s32 $0x5A2000, s0;
	s9 =	sadd.s32 $0xAAC400, s0;
	s13 =	sadd.s32 $0x3FEA, s11  }
0x7: {  	s23 =	sadd.s32 $0x500, s1;
	_ =	strace $0x80000047;
	[dreg:$0x4] =	wrdreg s8  }
0x8: {  	s25 =	sadd.s32 $0x28000, s1;
	s3 =	sshll.u32 s2, $0x4;
	[dreg:$0x7] =	wrdreg s23  }
0x9: {  	s2 =	ssub.s32 $0x2, s2;
	[dreg:$0x9] =	wrdreg s25;
	s25 =	simm.s32 $0xA000  }
0xa: {  	s3 =	sor.u32 s11, s3;
	s18 =	sshrl.u32 s2, $0x1;
	s11 =	simm.s32 $0x0  }
0xb: {  	s6 =	smul.u32 $0x142800, s3;
	s19 =	ssub.s32 s2, s18;
	s20 =	sshll.u32 s3, $0x9  }
0xc: {  	s18 =	simm.s32 $0x7;
	s2 =	simm.s32 $0x11800;
	s0 =	smax.u32 s19, $0x1  }
0xd: {  	s26 =	sshrl.u32 s20, $0x2;
	s19 =	simm.s32 $0x5000;
	[dreg:$0xa] =	wrdreg s0  }
0xe: {  	s10 =	sadd.s32 $0x2800, s6;
	s21 =	sshrl.u32 s6, $0x3;
	[dreg:$0xb] =	wrdreg s26  }
0xf: {  	s26 =	simm.s32 $0xC800;
	s22 =	sshrl.u32 s10, $0x3;
	s12 =	sadd.s32 s5, s21  }
0x10: {  	s3 =	sadd.s32 $0x28000, s21;
	[dreg:$0x5] =	wrdreg s12;
	s8 =	sadd.s32 s5, s22  }
0x11: {  	s0 =	simm.s32 $0x2;
	s24 =	sadd.s32 s5, s3;
	[dreg:$0x6] =	wrdreg s8  }
0x12: {  	s17 =	sadd.s32 s9, s3;
	s3 =	simm.s32 $0x6;
	[dreg:$0x8] =	wrdreg s24  }
.LBB2_1:
0x13: {  	[dreg:$0xc] =	wrdreg s11  }
0x14: {  	s8 =	rddreg [dreg:$0x2];
	s14 =	simm.s32 $0x14000  }
0x15: {  	[tilespmem:s14], [sflag:$0x7] =	stream.linear.gather [hbm4b:s8+s4], $0x1000, $0x38;
	[tilespmem:$0x15100] =	vst v63  }
0x16: {  	_ =	swait.ge [sflag:s18], $0x1000  }
0x17: {  	[sflag:s18] =	ssyncset.done $0x0  }
0x18: {  	s16 =	simm.s32 $0x15000;
	s15 =	rddreg [dreg:$0x4];
	[sflag:s18] =	ssyncadd.s32 $0xFFFFF000  }
0x19: {  	[tilespmem:s16], [sflag:$0x7] =	stream.linear.gather [hbm4b:s15+s4], $0x100, $0x38;
	[tilespmem:$0x15100] =	vst v63  }
0x1a: {  	_ =	swait.ge [sflag:s18], $0x100  }
0x1b: {  	[sflag:s18] =	ssyncset.done $0x0  }
0x1c: {  	[sflag:s18] =	ssyncadd.s32 $0xFFFFFF00;
	s18 =	rddreg [dreg:$0xb]  }
0x1d: {  	v0 =	vld [tilespmem:s18+$0x14000];
	_ =	sdelay $0x4  }
0x1e: {  	(v2sf) =	vpush v0, $0x0;
	_ =	sdelay $0xc  }
0x1f: {  	s20 =	rddreg [dreg:$0x5];
	v1 =	vld [tilespmem:$0x15000]  }
0x20: {  	v0 =	vld [tilespmem:$0x15080];
	[tilespmem:s4], [sflag:$0x1] =	stream.linear.gather [hbm4b:s20+s4], $0x2800, $0x38  }
0x21: {  	s11 =	spop (v2sf)  }
0x22: {  	s21 =	sshrl.u32 s11, $0x3  }
0x23: {  	s8 =	sand.u32 $0x1FFFFFF0, s21  }
0x24: {  	s12 =	simm.s32 $0x2800;
	s8 =	sadd.s32 s7, s8  }
0x25: {  	[tilespmem:s12], [sflag:$0x5] =	stream.linear.gather [hbm4b:s8+s4], $0x2800, $0x38;
	[tilespmem:$0x15100] =	vst v63  }
0x26: {  	s8 =	sld [smem:$0x7FF];
	s12 =	sand.u32 $0x7, s11  }
0x27: {  	p0 =	seq.s32 s12, $0x0  }
0x28: {  	[tilespmem:s19], [sflag:$0x1] =	stream.linear.gather [hbm4b:s1+s4], $0x2800, $0x38;
	[tilespmem:$0x15100] =	vst v63  }
0x29: {  	s22 =	rddreg [dreg:$0x6];
	p1 =	sne.s32 @!p0 s8, $0x1  }
0x2a: {  	[tilespmem:s25], [sflag:$0x2] =	stream.linear.gather [hbm4b:s22+s4], $0x2800, $0x38;
	[tilespmem:$0x15100] =	vst v63  }
0x2b: {  	p1 =	por !p1, p0  }
0x2c: {  	s8 =	sor.u32 @!p1 $0x100000, s13  }
0x2d: {  	s14 =	sand.u32 $0xFFFFFF80, s11;
	[smem:s8], [sflag:$0x0] =	smem.add.s32 @!p1 $0x47  }
0x2e: {  	s15 =	sand.u32 $0x78, s11;
	[dreg:$0xd] =	wrdreg s14  }
0x2f: {  	s8 =	simm.s32 @!p1 $0x0;
	[dreg:$0xe] =	wrdreg s15  }
0x30: {  	s14 =	sor.u32 s15, s14;
	s15 =	simm.s32 @!p1 $0x1;
	_ =	swait.done @!p1 [sflag:s8]  }
0x31: {  	s14 =	sadd.s32 $0x2800, s14;
	[smem:$0x7FF] =	sst @!p1 s15  }
0x32: {  	s14 =	sshrl.u32 s14, $0x3;
	_ =	sint @!p1 $0x2  }
0x33: {  	s23 =	sadd.s32 s7, s14;
	_ =	swait.notdone @!p1 [sflag:s8]  }
0x34: {  	[tilespmem:s26], [sflag:$0x6] =	stream.linear.gather [hbm4b:s23+s4], $0x2800, $0x38;
	[tilespmem:$0x15100] =	vst v63  }
0x35: {  	s14 =	simm.s32 $0x0;
	s24 =	rddreg [dreg:$0x7]  }
0x36: {  	[tilespmem:s28], [sflag:$0x2] =	stream.linear.gather [hbm4b:s24+s4], $0x2800, $0x38;
	[tilespmem:$0x15100] =	vst v63  }
.LBB2_2:
0x37: {  	_ =	swait.ge [sflag:s29], $0x2800  }
0x38: {  	[sflag:s29] =	ssyncset.done $0x0  }
0x39: {  	[sflag:s29] =	ssyncadd.s32 $0xFFFFD800  }
0x3a: {  	_ =	swait.ge [sflag:s30], $0x2800  }
0x3b: {  	[sflag:s30] =	ssyncset.done $0x0  }
0x3c: {  	[sflag:s30] =	ssyncadd.s32 $0xFFFFD800  }
0x3d: {  	_ =	swait.ge [sflag:s29], $0x2800  }
0x3e: {  	p1 =	seq.s32 s14, $0x0;
	[sflag:s29] =	ssyncset.done $0x0  }
0x3f: {  	s8 =	simm.s32 @!p1 $0x3;
	[sflag:s29] =	ssyncadd.s32 $0xFFFFD800  }
0x40: {  	s18 =	simm.s32 $0x0;
	_ =	swait.ge @!p1 [sflag:s8], $0x2800  }
0x41: {  	s15 =	sand.u32 $0x70, s18;
	s16 =	sand.u32 $0x3C00, s18;
	[sflag:s8] =	ssyncset.done @!p1 $0x0  }
0x42: {  	s21 =	sor.u32 s15, s16;
	[sflag:s8] =	ssyncadd.s32 @!p1 $0xFFFFD800  }
0x43: {  	v2 =	vld [tilespmem:s21+$0x5000]  }
0x44: {  	s22 =	simm.s32 $0x2800;
	v3 =	vld [tilespmem:s21+$0x0]  }
0x45: {  	v4 =	vld [tilespmem:s22+$0x0];
	_ =	sdelay $0x2  }
0x46: {  	v2 =	vmul.f32 v2, v1;
	_ =	sdelay $0x1  }
0x47: {  	v2 =	vadd.f32 v2, v3;
	v3 =	vmul.f32 v4, v0;
	_ =	sdelay $0x1  }
0x48: {  	v2 =	vadd.f32 v2, v3  }
0x49: {  	v3 =	vld [tilespmem:s21+$0x5080]  }
0x4a: {  	s23 =	sand.u32 $0x7F0, s18;
	[tilespmem:s21+$0x7800] =	vst v2;
	v2 =	vld [tilespmem:s21+$0x80]  }
0x4b: {  	v57 =	vld [tilespmem:s23+$0x2D00];
	_ =	sdelay $0x2  }
0x4c: {  	v3 =	vmul.f32 v3, v1;
	_ =	sdelay $0x1  }
0x4d: {  	v2 =	vadd.f32 v3, v2;
	v3 =	vmul.f32 v57, v0;
	_ =	sdelay $0x1  }
0x4e: {  	v2 =	vadd.f32 v2, v3  }
0x4f: {  	v3 =	vld [tilespmem:s21+$0x5100]  }
0x50: {  	[tilespmem:s21+$0x7880] =	vst v2;
	v2 =	vld [tilespmem:s21+$0x100]  }
0x51: {  	v58 =	vld [tilespmem:s23+$0x3200];
	_ =	sdelay $0x2  }
0x52: {  	v3 =	vmul.f32 v3, v1;
	_ =	sdelay $0x1  }
0x53: {  	v2 =	vadd.f32 v3, v2;
	v3 =	vmul.f32 v58, v0;
	_ =	sdelay $0x1  }
0x54: {  	v2 =	vadd.f32 v2, v3  }
0x55: {  	v3 =	vld [tilespmem:s21+$0x5180]  }
0x56: {  	[tilespmem:s21+$0x7900] =	vst v2;
	v2 =	vld [tilespmem:s21+$0x180]  }
0x57: {  	v59 =	vld [tilespmem:s23+$0x3700];
	_ =	sdelay $0x2  }
0x58: {  	v3 =	vmul.f32 v3, v1;
	_ =	sdelay $0x1  }
0x59: {  	v2 =	vadd.f32 v3, v2;
	v3 =	vmul.f32 v59, v0;
	_ =	sdelay $0x1  }
0x5a: {  	v2 =	vadd.f32 v2, v3  }
0x5b: {  	v3 =	vld [tilespmem:s21+$0x5200]  }
0x5c: {  	[tilespmem:s21+$0x7980] =	vst v2;
	v2 =	vld [tilespmem:s21+$0x200]  }
0x5d: {  	v60 =	vld [tilespmem:s23+$0x3C00];
	_ =	sdelay $0x2  }
0x5e: {  	v3 =	vmul.f32 v3, v1;
	_ =	sdelay $0x1  }
0x5f: {  	v2 =	vadd.f32 v3, v2;
	v3 =	vmul.f32 v60, v0;
	_ =	sdelay $0x1  }
0x60: {  	v2 =	vadd.f32 v2, v3  }
0x61: {  	v3 =	vld [tilespmem:s21+$0x5280]  }
0x62: {  	[tilespmem:s21+$0x7A00] =	vst v2;
	v2 =	vld [tilespmem:s21+$0x280]  }
0x63: {  	v61 =	vld [tilespmem:s23+$0x4100];
	_ =	sdelay $0x2  }
0x64: {  	v3 =	vmul.f32 v3, v1;
	_ =	sdelay $0x1  }
0x65: {  	v2 =	vadd.f32 v3, v2;
	v3 =	vmul.f32 v61, v0;
	_ =	sdelay $0x1  }
0x66: {  	v2 =	vadd.f32 v2, v3  }
0x67: {  	v3 =	vld [tilespmem:s21+$0x5300]  }
0x68: {  	[tilespmem:s21+$0x7A80] =	vst v2;
	v2 =	vld [tilespmem:s21+$0x300]  }
0x69: {  	v62 =	vld [tilespmem:s23+$0x4600];
	_ =	sdelay $0x2  }
0x6a: {  	v3 =	vmul.f32 v3, v1;
	_ =	sdelay $0x1  }
0x6b: {  	v2 =	vadd.f32 v3, v2;
	v3 =	vmul.f32 v62, v0  }
0x6c: {  	s24 =	sand.u32 $0x7, s18  }
0x6d: {  	s16 =	sshll.u32 s24, $0x4;
	v2 =	vadd.f32 v2, v3  }
0x6e: {  	s16 =	sadd.s32 $0x0, s16  }
0x6f: {  	s20 =	sor.u32 $0x380, s16;
	[tilespmem:s21+$0x7B00] =	vst v2  }
0x70: {  	v2 =	vld [tilespmem:s20+$0x5000]  }
0x71: {  	v3 =	vld [tilespmem:s23+$0x4B00]  }
0x72: {  	v63 =	vld [tilespmem:s20+$0x0];
	_ =	sdelay $0x2  }
0x73: {  	v2 =	vmul.f32 v2, v1;
	_ =	sdelay $0x1  }
0x74: {  	v3 =	vmul.f32 v3, v0;
	v2 =	vadd.f32 v2, v63  }
0x75: {  	s19 =	simm.s32 $0x10;
	s15 =	simm.s32 $0x20;
	s22 =	simm.s32 $0x80  }
0x76: {  	s24 =	sand.u32 $0x3C00, s22;
	s21 =	simm.s32 $0x2810;
	s23 =	sand.u32 $0x70, s19;
	v2 =	vadd.f32 v2, v3  }
.LBB2_3:
0x77: {  	s24 =	sor.u32 s23, s24  }
0x78: {  	[tilespmem:s20+$0x7800] =	vst v2;
	s18 =	sadd.s32 $0x1, s18;
	s16 =	smov.u32 s15;
	s8 =	sadd.s32 $0x10, s15  }
0x79: {  	p2 =	sne.s32 s15, $0x4F0;
	v2 =	vld [tilespmem:s24+$0x5000]  }
0x7a: {  	v3 =	vld [tilespmem:s24+$0x0]  }
0x7b: {  	v4 =	vld [tilespmem:s21+$0x0];
	_ =	sdelay $0x2  }
0x7c: {  	v2 =	vmul.f32 v2, v1;
	_ =	sdelay $0x1  }
0x7d: {  	v2 =	vadd.f32 v2, v3;
	v3 =	vmul.f32 v4, v0;
	_ =	sdelay $0x1  }
0x7e: {  	v2 =	vadd.f32 v2, v3  }
0x7f: {  	v3 =	vld [tilespmem:s24+$0x5080]  }
0x80: {  	s23 =	sand.u32 $0x7F0, s19;
	s19 =	smov.u32 s16;
	[tilespmem:s24+$0x7800] =	vst v2;
	v2 =	vld [tilespmem:s24+$0x80]  }
0x81: {  	v4 =	vld [tilespmem:s23+$0x2D00];
	_ =	sdelay $0x2  }
0x82: {  	v3 =	vmul.f32 v3, v1;
	_ =	sdelay $0x1  }
0x83: {  	v2 =	vadd.f32 v3, v2;
	v3 =	vmul.f32 v4, v0;
	_ =	sdelay $0x1  }
0x84: {  	v2 =	vadd.f32 v2, v3  }
0x85: {  	v3 =	vld [tilespmem:s24+$0x5100]  }
0x86: {  	[tilespmem:s24+$0x7880] =	vst v2;
	v2 =	vld [tilespmem:s24+$0x100]  }
0x87: {  	v4 =	vld [tilespmem:s23+$0x3200];
	_ =	sdelay $0x2  }
0x88: {  	v3 =	vmul.f32 v3, v1;
	_ =	sdelay $0x1  }
0x89: {  	v2 =	vadd.f32 v3, v2;
	v3 =	vmul.f32 v4, v0;
	_ =	sdelay $0x1  }
0x8a: {  	v2 =	vadd.f32 v2, v3  }
0x8b: {  	v3 =	vld [tilespmem:s24+$0x5180]  }
0x8c: {  	[tilespmem:s24+$0x7900] =	vst v2;
	v2 =	vld [tilespmem:s24+$0x180]  }
0x8d: {  	v4 =	vld [tilespmem:s23+$0x3700];
	_ =	sdelay $0x2  }
0x8e: {  	v3 =	vmul.f32 v3, v1;
	_ =	sdelay $0x1  }
0x8f: {  	v2 =	vadd.f32 v3, v2;
	v3 =	vmul.f32 v4, v0;
	_ =	sdelay $0x1  }
0x90: {  	v2 =	vadd.f32 v2, v3  }
0x91: {  	v3 =	vld [tilespmem:s24+$0x5200]  }
0x92: {  	[tilespmem:s24+$0x7980] =	vst v2;
	v2 =	vld [tilespmem:s24+$0x200]  }
0x93: {  	v4 =	vld [tilespmem:s23+$0x3C00];
	_ =	sdelay $0x2  }
0x94: {  	v3 =	vmul.f32 v3, v1;
	_ =	sdelay $0x1  }
0x95: {  	v2 =	vadd.f32 v3, v2;
	v3 =	vmul.f32 v4, v0;
	_ =	sdelay $0x1  }
0x96: {  	v2 =	vadd.f32 v2, v3  }
0x97: {  	v3 =	vld [tilespmem:s24+$0x5280]  }
0x98: {  	[tilespmem:s24+$0x7A00] =	vst v2;
	v2 =	vld [tilespmem:s24+$0x280]  }
0x99: {  	v4 =	vld [tilespmem:s23+$0x4100];
	_ =	sdelay $0x2  }
0x9a: {  	v3 =	vmul.f32 v3, v1;
	_ =	sdelay $0x1  }
0x9b: {  	v2 =	vadd.f32 v3, v2;
	v3 =	vmul.f32 v4, v0;
	_ =	sdelay $0x1  }
0x9c: {  	v2 =	vadd.f32 v2, v3  }
0x9d: {  	v3 =	vld [tilespmem:s24+$0x5300]  }
0x9e: {  	[tilespmem:s24+$0x7A80] =	vst v2;
	v2 =	vld [tilespmem:s24+$0x300]  }
0x9f: {  	v4 =	vld [tilespmem:s23+$0x4600];
	_ =	sdelay $0x2  }
0xa0: {  	v3 =	vmul.f32 v3, v1;
	_ =	sdelay $0x1  }
0xa1: {  	v2 =	vadd.f32 v3, v2;
	v3 =	vmul.f32 v4, v0  }
0xa2: {  	s15 =	sand.u32 $0x7, s18  }
0xa3: {  	s15 =	sshll.u32 s15, $0x4;
	v2 =	vadd.f32 v2, v3  }
0xa4: {  	s15 =	sadd.s32 s15, s22  }
0xa5: {  	s20 =	sor.u32 $0x380, s15;
	[tilespmem:s24+$0x7B00] =	vst v2  }
0xa6: {  	v2 =	vld [tilespmem:s20+$0x5000]  }
0xa7: {  	v3 =	vld [tilespmem:s23+$0x4B00]  }
0xa8: {  	v4 =	vld [tilespmem:s20+$0x0];
	_ =	sdelay $0x2  }
0xa9: {  	v2 =	vmul.f32 v2, v1  }
.Ltmp0:
0xaa: {  	(pc) =	sbr.rel @p2 .LBB2_3-.Ltmp0, $3  }
0xab: {  	v3 =	vmul.f32 v3, v0;
	v2 =	vadd.f32 v2, v4;
	_ =	sdelay $0x1  }
0xac: {  	s22 =	sadd.s32 $0x80, s22;
	s21 =	sadd.s32 $0x10, s21;
	v2 =	vadd.f32 v2, v3  }
0xad: {  	s15 =	smov.u32 s8;
	s24 =	sand.u32 $0x3C00, s22;
	s23 =	sand.u32 $0x70, s19  }
0xae: {  	s8 =	sor.u32 s23, s24;
	[tilespmem:s20+$0x7800] =	vst v2  }
0xaf: {  	v2 =	vld [tilespmem:s8+$0x5000]  }
0xb0: {  	v3 =	vld [tilespmem:s8+$0x0]  }
0xb1: {  	v4 =	vld [tilespmem:s21+$0x0];
	_ =	sdelay $0x2  }
0xb2: {  	v2 =	vmul.f32 v2, v1;
	_ =	sdelay $0x1  }
0xb3: {  	v2 =	vadd.f32 v2, v3;
	v3 =	vmul.f32 v4, v0;
	_ =	sdelay $0x1  }
0xb4: {  	v2 =	vadd.f32 v2, v3  }
0xb5: {  	v3 =	vld [tilespmem:s8+$0x5080]  }
0xb6: {  	s15 =	sand.u32 $0x7F0, s19;
	[tilespmem:s8+$0x7800] =	vst v2;
	v2 =	vld [tilespmem:s8+$0x80]  }
0xb7: {  	v49 =	vld [tilespmem:s15+$0x2D00];
	_ =	sdelay $0x2  }
0xb8: {  	v3 =	vmul.f32 v3, v1;
	_ =	sdelay $0x1  }
0xb9: {  	v2 =	vadd.f32 v3, v2;
	v3 =	vmul.f32 v49, v0;
	_ =	sdelay $0x1  }
0xba: {  	v2 =	vadd.f32 v2, v3  }
0xbb: {  	v3 =	vld [tilespmem:s8+$0x5100]  }
0xbc: {  	[tilespmem:s8+$0x7880] =	vst v2;
	v2 =	vld [tilespmem:s8+$0x100]  }
0xbd: {  	v50 =	vld [tilespmem:s15+$0x3200];
	_ =	sdelay $0x2  }
0xbe: {  	v3 =	vmul.f32 v3, v1;
	_ =	sdelay $0x1  }
0xbf: {  	v2 =	vadd.f32 v3, v2;
	v3 =	vmul.f32 v50, v0;
	_ =	sdelay $0x1  }
0xc0: {  	v2 =	vadd.f32 v2, v3  }
0xc1: {  	v3 =	vld [tilespmem:s8+$0x5180]  }
0xc2: {  	[tilespmem:s8+$0x7900] =	vst v2;
	v2 =	vld [tilespmem:s8+$0x180]  }
0xc3: {  	v51 =	vld [tilespmem:s15+$0x3700];
	_ =	sdelay $0x2  }
0xc4: {  	v3 =	vmul.f32 v3, v1;
	_ =	sdelay $0x1  }
0xc5: {  	v2 =	vadd.f32 v3, v2;
	v3 =	vmul.f32 v51, v0;
	_ =	sdelay $0x1  }
0xc6: {  	v2 =	vadd.f32 v2, v3  }
0xc7: {  	v3 =	vld [tilespmem:s8+$0x5200]  }
0xc8: {  	[tilespmem:s8+$0x7980] =	vst v2;
	v2 =	vld [tilespmem:s8+$0x200]  }
0xc9: {  	v52 =	vld [tilespmem:s15+$0x3C00];
	_ =	sdelay $0x2  }
0xca: {  	v3 =	vmul.f32 v3, v1;
	_ =	sdelay $0x1  }
0xcb: {  	v2 =	vadd.f32 v3, v2;
	v3 =	vmul.f32 v52, v0;
	_ =	sdelay $0x1  }
0xcc: {  	v2 =	vadd.f32 v2, v3  }
0xcd: {  	v3 =	vld [tilespmem:s8+$0x5280]  }
0xce: {  	[tilespmem:s8+$0x7A00] =	vst v2;
	v2 =	vld [tilespmem:s8+$0x280]  }
0xcf: {  	v53 =	vld [tilespmem:s15+$0x4100];
	_ =	sdelay $0x2  }
0xd0: {  	v3 =	vmul.f32 v3, v1;
	_ =	sdelay $0x1  }
0xd1: {  	v2 =	vadd.f32 v3, v2;
	v3 =	vmul.f32 v53, v0;
	_ =	sdelay $0x1  }
0xd2: {  	v2 =	vadd.f32 v2, v3  }
0xd3: {  	v3 =	vld [tilespmem:s8+$0x5300]  }
0xd4: {  	[tilespmem:s8+$0x7A80] =	vst v2;
	v2 =	vld [tilespmem:s8+$0x300]  }
0xd5: {  	v54 =	vld [tilespmem:s15+$0x4600];
	_ =	sdelay $0x2  }
0xd6: {  	v3 =	vmul.f32 v3, v1;
	_ =	sdelay $0x1  }
0xd7: {  	s16 =	sadd.s32 $0x1, s18;
	v2 =	vadd.f32 v3, v2;
	v3 =	vmul.f32 v54, v0  }
0xd8: {  	s16 =	sand.u32 $0x7, s16  }
0xd9: {  	s16 =	sshll.u32 s16, $0x4;
	v2 =	vadd.f32 v2, v3  }
0xda: {  	s16 =	sadd.s32 s16, s22  }
0xdb: {  	s23 =	sor.u32 $0x380, s16;
	[tilespmem:s8+$0x7B00] =	vst v2  }
0xdc: {  	v2 =	vld [tilespmem:s23+$0x5000]  }
0xdd: {  	v3 =	vld [tilespmem:s15+$0x4B00]  }
0xde: {  	v55 =	vld [tilespmem:s23+$0x0];
	_ =	sdelay $0x2  }
0xdf: {  	v2 =	vmul.f32 v2, v1;
	_ =	sdelay $0x1  }
0xe0: {  	s18 =	smul.u32 $0x5000, s14;
	v3 =	vmul.f32 v3, v0;
	v2 =	vadd.f32 v2, v55;
	_ =	sdelay $0x1  }
0xe1: {  	p2 =	seq.s32 s14, $0x3F;
	s24 =	sadd.s32 s6, s18;
	v2 =	vadd.f32 v2, v3  }
0xe2: {  	p3 =	seq.s32 @!p2 s12, $0x0;
	s19 =	sld @!p2 [smem:$0x7FF];
	s15 =	sshrl.u32 s24, $0x3  }
0xe3: {  	p4 =	por p3, p2;
	s8 =	sadd.s32 @!p2 $0x5000, s18;
	s15 =	sadd.s32 s9, s15;
	[tilespmem:s23+$0x7800] =	vst v2  }
0xe4: {  	[hbm4b:s15+s4] =	stream.linear.scatter [tilespmem:s31], [sflag:$0x3], $0x2800, $0x38;
	[tilespmem:$0x15100] =	vst v63  }
0xe5: {  	p4 =	sne.s32 @!p4 s19, $0x1;
	s15 =	sadd.s32 @!p2 s6, s8  }
0xe6: {  	p3 =	por @!p2 !p4, p3;
	s15 =	sshrl.u32 @!p2 s15, $0x3  }
0xe7: {  	s16 =	simm.s32 @!p2 $0x0;
	p3 =	por p3, p2;
	s15 =	sadd.s32 @!p2 s5, s15  }
0xe8: {  	[tilespmem:s16], [sflag:$0x1] =	stream.linear.gather @!p2 [hbm4b:s15+s16], $0x2800, $0x38;
	[tilespmem:$0x15100] =	vst v63  }
0xe9: {  	s15 =	sor.u32 @!p3 $0x100000, s13  }
0xea: {  	[smem:s15], [sflag:$0x0] =	smem.add.s32 @!p3 $0xD0;
	s15 =	simm.s32 @!p3 $0x0  }
0xeb: {  	s19 =	simm.s32 @!p3 $0x1;
	_ =	swait.done @!p3 [sflag:s15]  }
0xec: {  	s20 =	sadd.s32 @!p2 s11, s8;
	[smem:$0x7FF] =	sst @!p3 s19  }
0xed: {  	s8 =	sshrl.u32 @!p2 s8, $0x3;
	s19 =	sshrl.u32 @!p2 s20, $0x3;
	_ =	sint @!p3 $0x2  }
0xee: {  	_ =	swait.notdone @!p3 [sflag:s15];
	s15 =	sadd.s32 @!p2 s7, s19;
	s19 =	simm.s32 @!p2 $0x2800  }
0xef: {  	[tilespmem:s19], [sflag:$0x5] =	stream.linear.gather @!p2 [hbm4b:s15+s16], $0x2800, $0x38;
	[tilespmem:$0x15100] =	vst v63  }
0xf0: {  	s8 =	sadd.s32 @!p2 s1, s8;
	s15 =	simm.s32 @!p2 $0x5000  }
0xf1: {  	[tilespmem:s15], [sflag:$0x1] =	stream.linear.gather @!p2 [hbm4b:s8+s16], $0x2800, $0x38;
	[tilespmem:$0x15100] =	vst v63  }
0xf2: {  	_ =	swait.ge [sflag:s0], $0x2800  }
0xf3: {  	[sflag:s0] =	ssyncset.done $0x0  }
0xf4: {  	[sflag:s0] =	ssyncadd.s32 $0xFFFFD800  }
0xf5: {  	_ =	swait.ge [sflag:s3], $0x2800  }
0xf6: {  	[sflag:s3] =	ssyncset.done $0x0  }
0xf7: {  	[sflag:s3] =	ssyncadd.s32 $0xFFFFD800  }
0xf8: {  	_ =	swait.ge [sflag:s0], $0x2800  }
0xf9: {  	[sflag:s0] =	ssyncset.done $0x0  }
0xfa: {  	s8 =	simm.s32 @!p1 $0x4;
	[sflag:s0] =	ssyncadd.s32 $0xFFFFD800  }
0xfb: {  	s22 =	simm.s32 $0x0;
	_ =	swait.ge @!p1 [sflag:s8], $0x2800  }
0xfc: {  	s19 =	sand.u32 $0x3C00, s22;
	s16 =	sand.u32 $0x70, s22;
	[sflag:s8] =	ssyncset.done @!p1 $0x0  }
0xfd: {  	s20 =	sor.u32 s16, s19;
	[sflag:s8] =	ssyncadd.s32 @!p1 $0xFFFFD800  }
0xfe: {  	v2 =	vld [tilespmem:s20+$0xF000]  }
0xff: {  	s21 =	simm.s32 $0xC800;
	v3 =	vld [tilespmem:s20+$0xA000]  }
0x100: {  	v56 =	vld [tilespmem:s21+$0x0];
	_ =	sdelay $0x2  }
0x101: {  	v2 =	vmul.f32 v2, v1;
	_ =	sdelay $0x1  }
0x102: {  	v2 =	vadd.f32 v2, v3;
	v3 =	vmul.f32 v56, v0;
	_ =	sdelay $0x1  }
0x103: {  	v2 =	vadd.f32 v2, v3  }
0x104: {  	v3 =	vld [tilespmem:s20+$0xF080]  }
0x105: {  	s23 =	sand.u32 $0x7F0, s22;
	[tilespmem:s20+$0x11800] =	vst v2;
	v2 =	vld [tilespmem:s20+$0xA080]  }
0x106: {  	v57 =	vld [tilespmem:s23+$0xCD00];
	_ =	sdelay $0x2  }
0x107: {  	v3 =	vmul.f32 v3, v1;
	_ =	sdelay $0x1  }
0x108: {  	v2 =	vadd.f32 v3, v2;
	v3 =	vmul.f32 v57, v0;
	_ =	sdelay $0x1  }
0x109: {  	v2 =	vadd.f32 v2, v3  }
0x10a: {  	v3 =	vld [tilespmem:s20+$0xF100]  }
0x10b: {  	[tilespmem:s20+$0x11880] =	vst v2;
	v2 =	vld [tilespmem:s20+$0xA100]  }
0x10c: {  	v58 =	vld [tilespmem:s23+$0xD200];
	_ =	sdelay $0x2  }
0x10d: {  	v3 =	vmul.f32 v3, v1;
	_ =	sdelay $0x1  }
0x10e: {  	v2 =	vadd.f32 v3, v2;
	v3 =	vmul.f32 v58, v0;
	_ =	sdelay $0x1  }
0x10f: {  	v2 =	vadd.f32 v2, v3  }
0x110: {  	v3 =	vld [tilespmem:s20+$0xF180]  }
0x111: {  	[tilespmem:s20+$0x11900] =	vst v2;
	v2 =	vld [tilespmem:s20+$0xA180]  }
0x112: {  	v59 =	vld [tilespmem:s23+$0xD700];
	_ =	sdelay $0x2  }
0x113: {  	v3 =	vmul.f32 v3, v1;
	_ =	sdelay $0x1  }
0x114: {  	v2 =	vadd.f32 v3, v2;
	v3 =	vmul.f32 v59, v0;
	_ =	sdelay $0x1  }
0x115: {  	v2 =	vadd.f32 v2, v3  }
0x116: {  	v3 =	vld [tilespmem:s20+$0xF200]  }
0x117: {  	[tilespmem:s20+$0x11980] =	vst v2;
	v2 =	vld [tilespmem:s20+$0xA200]  }
0x118: {  	v60 =	vld [tilespmem:s23+$0xDC00];
	_ =	sdelay $0x2  }
0x119: {  	v3 =	vmul.f32 v3, v1;
	_ =	sdelay $0x1  }
0x11a: {  	v2 =	vadd.f32 v3, v2;
	v3 =	vmul.f32 v60, v0;
	_ =	sdelay $0x1  }
0x11b: {  	v2 =	vadd.f32 v2, v3  }
0x11c: {  	v3 =	vld [tilespmem:s20+$0xF280]  }
0x11d: {  	[tilespmem:s20+$0x11A00] =	vst v2;
	v2 =	vld [tilespmem:s20+$0xA280]  }
0x11e: {  	v61 =	vld [tilespmem:s23+$0xE100];
	_ =	sdelay $0x2  }
0x11f: {  	v3 =	vmul.f32 v3, v1;
	_ =	sdelay $0x1  }
0x120: {  	v2 =	vadd.f32 v3, v2;
	v3 =	vmul.f32 v61, v0;
	_ =	sdelay $0x1  }
0x121: {  	v2 =	vadd.f32 v2, v3  }
0x122: {  	v3 =	vld [tilespmem:s20+$0xF300]  }
0x123: {  	[tilespmem:s20+$0x11A80] =	vst v2;
	v2 =	vld [tilespmem:s20+$0xA300]  }
0x124: {  	v62 =	vld [tilespmem:s23+$0xE600];
	_ =	sdelay $0x2  }
0x125: {  	v3 =	vmul.f32 v3, v1;
	_ =	sdelay $0x1  }
0x126: {  	v2 =	vadd.f32 v3, v2;
	v3 =	vmul.f32 v62, v0  }
0x127: {  	s24 =	sand.u32 $0x7, s22  }
0x128: {  	s15 =	sshll.u32 s24, $0x4;
	v2 =	vadd.f32 v2, v3  }
0x129: {  	s15 =	sadd.s32 $0x0, s15  }
0x12a: {  	s15 =	sor.u32 $0x380, s15;
	[tilespmem:s20+$0x11B00] =	vst v2  }
0x12b: {  	v2 =	vld [tilespmem:s15+$0xF000]  }
0x12c: {  	v3 =	vld [tilespmem:s23+$0xEB00]  }
0x12d: {  	v63 =	vld [tilespmem:s15+$0xA000];
	_ =	sdelay $0x2  }
0x12e: {  	v2 =	vmul.f32 v2, v1;
	_ =	sdelay $0x1  }
0x12f: {  	s19 =	simm.s32 $0x80;
	v3 =	vmul.f32 v3, v0;
	v2 =	vadd.f32 v2, v63  }
0x130: {  	s16 =	sand.u32 $0x3C00, s19;
	s21 =	simm.s32 $0x10  }
0x131: {  	s8 =	simm.s32 $0xC810;
	s20 =	simm.s32 $0x20;
	s23 =	sand.u32 $0x70, s21;
	v2 =	vadd.f32 v2, v3  }
.LBB2_5:
0x132: {  	s23 =	sor.u32 s23, s16  }
0x133: {  	[tilespmem:s15+$0x11800] =	vst v2;
	s22 =	sadd.s32 $0x1, s22;
	s15 =	smov.u32 s20;
	s24 =	sadd.s32 $0x10, s20  }
0x134: {  	p1 =	sne.s32 s20, $0x4F0;
	v2 =	vld [tilespmem:s23+$0xF000]  }
0x135: {  	v3 =	vld [tilespmem:s23+$0xA000]  }
0x136: {  	v4 =	vld [tilespmem:s8+$0x0];
	_ =	sdelay $0x2  }
0x137: {  	v2 =	vmul.f32 v2, v1;
	_ =	sdelay $0x1  }
0x138: {  	v2 =	vadd.f32 v2, v3;
	v3 =	vmul.f32 v4, v0;
	_ =	sdelay $0x1  }
0x139: {  	v2 =	vadd.f32 v2, v3  }
0x13a: {  	v3 =	vld [tilespmem:s23+$0xF080]  }
0x13b: {  	s20 =	sand.u32 $0x7F0, s21;
	s21 =	smov.u32 s15;
	[tilespmem:s23+$0x11800] =	vst v2;
	v2 =	vld [tilespmem:s23+$0xA080]  }
0x13c: {  	v4 =	vld [tilespmem:s20+$0xCD00];
	_ =	sdelay $0x2  }
0x13d: {  	v3 =	vmul.f32 v3, v1;
	_ =	sdelay $0x1  }
0x13e: {  	v2 =	vadd.f32 v3, v2;
	v3 =	vmul.f32 v4, v0;
	_ =	sdelay $0x1  }
0x13f: {  	v2 =	vadd.f32 v2, v3  }
0x140: {  	v3 =	vld [tilespmem:s23+$0xF100]  }
0x141: {  	[tilespmem:s23+$0x11880] =	vst v2;
	v2 =	vld [tilespmem:s23+$0xA100]  }
0x142: {  	v4 =	vld [tilespmem:s20+$0xD200];
	_ =	sdelay $0x2  }
0x143: {  	v3 =	vmul.f32 v3, v1;
	_ =	sdelay $0x1  }
0x144: {  	v2 =	vadd.f32 v3, v2;
	v3 =	vmul.f32 v4, v0;
	_ =	sdelay $0x1  }
0x145: {  	v2 =	vadd.f32 v2, v3  }
0x146: {  	v3 =	vld [tilespmem:s23+$0xF180]  }
0x147: {  	[tilespmem:s23+$0x11900] =	vst v2;
	v2 =	vld [tilespmem:s23+$0xA180]  }
0x148: {  	v4 =	vld [tilespmem:s20+$0xD700];
	_ =	sdelay $0x2  }
0x149: {  	v3 =	vmul.f32 v3, v1;
	_ =	sdelay $0x1  }
0x14a: {  	v2 =	vadd.f32 v3, v2;
	v3 =	vmul.f32 v4, v0;
	_ =	sdelay $0x1  }
0x14b: {  	v2 =	vadd.f32 v2, v3  }
0x14c: {  	v3 =	vld [tilespmem:s23+$0xF200]  }
0x14d: {  	[tilespmem:s23+$0x11980] =	vst v2;
	v2 =	vld [tilespmem:s23+$0xA200]  }
0x14e: {  	v4 =	vld [tilespmem:s20+$0xDC00];
	_ =	sdelay $0x2  }
0x14f: {  	v3 =	vmul.f32 v3, v1;
	_ =	sdelay $0x1  }
0x150: {  	v2 =	vadd.f32 v3, v2;
	v3 =	vmul.f32 v4, v0;
	_ =	sdelay $0x1  }
0x151: {  	v2 =	vadd.f32 v2, v3  }
0x152: {  	v3 =	vld [tilespmem:s23+$0xF280]  }
0x153: {  	[tilespmem:s23+$0x11A00] =	vst v2;
	v2 =	vld [tilespmem:s23+$0xA280]  }
0x154: {  	v4 =	vld [tilespmem:s20+$0xE100];
	_ =	sdelay $0x2  }
0x155: {  	v3 =	vmul.f32 v3, v1;
	_ =	sdelay $0x1  }
0x156: {  	v2 =	vadd.f32 v3, v2;
	v3 =	vmul.f32 v4, v0;
	_ =	sdelay $0x1  }
0x157: {  	v2 =	vadd.f32 v2, v3  }
0x158: {  	v3 =	vld [tilespmem:s23+$0xF300]  }
0x159: {  	[tilespmem:s23+$0x11A80] =	vst v2;
	v2 =	vld [tilespmem:s23+$0xA300]  }
0x15a: {  	v4 =	vld [tilespmem:s20+$0xE600];
	_ =	sdelay $0x2  }
0x15b: {  	v3 =	vmul.f32 v3, v1;
	_ =	sdelay $0x1  }
0x15c: {  	v2 =	vadd.f32 v3, v2;
	v3 =	vmul.f32 v4, v0  }
0x15d: {  	s15 =	sand.u32 $0x7, s22  }
0x15e: {  	s15 =	sshll.u32 s15, $0x4;
	v2 =	vadd.f32 v2, v3  }
0x15f: {  	s15 =	sadd.s32 s15, s19  }
0x160: {  	s15 =	sor.u32 $0x380, s15;
	[tilespmem:s23+$0x11B00] =	vst v2  }
0x161: {  	v2 =	vld [tilespmem:s15+$0xF000]  }
0x162: {  	v3 =	vld [tilespmem:s20+$0xEB00]  }
0x163: {  	v4 =	vld [tilespmem:s15+$0xA000];
	_ =	sdelay $0x2  }
0x164: {  	v2 =	vmul.f32 v2, v1  }
.Ltmp1:
0x165: {  	(pc) =	sbr.rel @p1 .LBB2_5-.Ltmp1, $3  }
0x166: {  	v3 =	vmul.f32 v3, v0;
	v2 =	vadd.f32 v2, v4;
	_ =	sdelay $0x1  }
0x167: {  	s19 =	sadd.s32 $0x80, s19;
	s8 =	sadd.s32 $0x10, s8;
	v2 =	vadd.f32 v2, v3  }
0x168: {  	s16 =	sand.u32 $0x3C00, s19;
	s23 =	sand.u32 $0x70, s21;
	s20 =	smov.u32 s24  }
0x169: {  	s16 =	sor.u32 s23, s16;
	[tilespmem:s15+$0x11800] =	vst v2  }
0x16a: {  	v2 =	vld [tilespmem:s16+$0xF000]  }
0x16b: {  	v3 =	vld [tilespmem:s16+$0xA000]  }
0x16c: {  	v4 =	vld [tilespmem:s8+$0x0];
	_ =	sdelay $0x2  }
0x16d: {  	v2 =	vmul.f32 v2, v1;
	_ =	sdelay $0x1  }
0x16e: {  	v2 =	vadd.f32 v2, v3;
	v3 =	vmul.f32 v4, v0;
	_ =	sdelay $0x1  }
0x16f: {  	v2 =	vadd.f32 v2, v3  }
0x170: {  	v3 =	vld [tilespmem:s16+$0xF080]  }
0x171: {  	s21 =	sand.u32 $0x7F0, s21;
	[tilespmem:s16+$0x11800] =	vst v2;
	v2 =	vld [tilespmem:s16+$0xA080]  }
0x172: {  	v57 =	vld [tilespmem:s21+$0xCD00];
	_ =	sdelay $0x2  }
0x173: {  	v3 =	vmul.f32 v3, v1;
	_ =	sdelay $0x1  }
0x174: {  	v2 =	vadd.f32 v3, v2;
	v3 =	vmul.f32 v57, v0;
	_ =	sdelay $0x1  }
0x175: {  	v2 =	vadd.f32 v2, v3  }
0x176: {  	v3 =	vld [tilespmem:s16+$0xF100]  }
0x177: {  	[tilespmem:s16+$0x11880] =	vst v2;
	v2 =	vld [tilespmem:s16+$0xA100]  }
0x178: {  	v58 =	vld [tilespmem:s21+$0xD200];
	_ =	sdelay $0x2  }
0x179: {  	v3 =	vmul.f32 v3, v1;
	_ =	sdelay $0x1  }
0x17a: {  	v2 =	vadd.f32 v3, v2;
	v3 =	vmul.f32 v58, v0;
	_ =	sdelay $0x1  }
0x17b: {  	v2 =	vadd.f32 v2, v3  }
0x17c: {  	v3 =	vld [tilespmem:s16+$0xF180]  }
0x17d: {  	[tilespmem:s16+$0x11900] =	vst v2;
	v2 =	vld [tilespmem:s16+$0xA180]  }
0x17e: {  	v59 =	vld [tilespmem:s21+$0xD700];
	_ =	sdelay $0x2  }
0x17f: {  	v3 =	vmul.f32 v3, v1;
	_ =	sdelay $0x1  }
0x180: {  	v2 =	vadd.f32 v3, v2;
	v3 =	vmul.f32 v59, v0;
	_ =	sdelay $0x1  }
0x181: {  	v2 =	vadd.f32 v2, v3  }
0x182: {  	v3 =	vld [tilespmem:s16+$0xF200]  }
0x183: {  	[tilespmem:s16+$0x11980] =	vst v2;
	v2 =	vld [tilespmem:s16+$0xA200]  }
0x184: {  	v60 =	vld [tilespmem:s21+$0xDC00];
	_ =	sdelay $0x2  }
0x185: {  	v3 =	vmul.f32 v3, v1;
	_ =	sdelay $0x1  }
0x186: {  	v2 =	vadd.f32 v3, v2;
	v3 =	vmul.f32 v60, v0;
	_ =	sdelay $0x1  }
0x187: {  	v2 =	vadd.f32 v2, v3  }
0x188: {  	v3 =	vld [tilespmem:s16+$0xF280]  }
0x189: {  	[tilespmem:s16+$0x11A00] =	vst v2;
	v2 =	vld [tilespmem:s16+$0xA280]  }
0x18a: {  	v61 =	vld [tilespmem:s21+$0xE100];
	_ =	sdelay $0x2  }
0x18b: {  	v3 =	vmul.f32 v3, v1;
	_ =	sdelay $0x1  }
0x18c: {  	v2 =	vadd.f32 v3, v2;
	v3 =	vmul.f32 v61, v0;
	_ =	sdelay $0x1  }
0x18d: {  	v2 =	vadd.f32 v2, v3  }
0x18e: {  	v3 =	vld [tilespmem:s16+$0xF300]  }
0x18f: {  	[tilespmem:s16+$0x11A80] =	vst v2;
	v2 =	vld [tilespmem:s16+$0xA300]  }
0x190: {  	v62 =	vld [tilespmem:s21+$0xE600];
	_ =	sdelay $0x2  }
0x191: {  	v3 =	vmul.f32 v3, v1;
	_ =	sdelay $0x1  }
0x192: {  	s23 =	sadd.s32 $0x1, s22;
	v2 =	vadd.f32 v3, v2;
	v3 =	vmul.f32 v62, v0  }
0x193: {  	s15 =	sand.u32 $0x7, s23  }
0x194: {  	s15 =	sshll.u32 s15, $0x4;
	v2 =	vadd.f32 v2, v3  }
0x195: {  	s15 =	sadd.s32 s15, s19  }
0x196: {  	s15 =	sor.u32 $0x380, s15;
	[tilespmem:s16+$0x11B00] =	vst v2  }
0x197: {  	v2 =	vld [tilespmem:s15+$0xF000]  }
0x198: {  	v3 =	vld [tilespmem:s21+$0xEB00]  }
0x199: {  	v63 =	vld [tilespmem:s15+$0xA000];
	_ =	sdelay $0x2  }
0x19a: {  	v2 =	vmul.f32 v2, v1;
	_ =	sdelay $0x1  }
0x19b: {  	v3 =	vmul.f32 v3, v0;
	v2 =	vadd.f32 v2, v63  }
.Ltmp2:
0x19c: {  	_ = 	snop;
	(pc) =	sbr.rel @p2 .LBB2_8-.Ltmp2, $4  }
0x19d: {  	s24 =	sadd.s32 s18, s10;
	v2 =	vadd.f32 v2, v3  }
0x19e: {  	s8 =	sshrl.u32 s24, $0x3  }
0x19f: {  	s8 =	sadd.s32 s9, s8;
	[tilespmem:s15+$0x11800] =	vst v2  }
0x1a0: {  	[hbm4b:s8+s4] =	stream.linear.scatter [tilespmem:s2], [sflag:$0x4], $0x2800, $0x38;
	[tilespmem:$0x15100] =	vst v63  }
0x1a1: {  	s8 =	sadd.s32 $0x7800, s18;
	s16 =	sld [smem:$0x7FF]  }
0x1a2: {  	s15 =	sadd.s32 s6, s8  }
0x1a3: {  	s15 =	sshrl.u32 s15, $0x3  }
0x1a4: {  	s15 =	sadd.s32 s5, s15;
	p1 =	sne.s32 @!p0 s16, $0x1  }
0x1a5: {  	[tilespmem:s25], [sflag:$0x2] =	stream.linear.gather [hbm4b:s15+s4], $0x2800, $0x38;
	[tilespmem:$0x15100] =	vst v63  }
0x1a6: {  	p1 =	por !p1, p0  }
0x1a7: {  	s15 =	sor.u32 @!p1 $0x100000, s13  }
0x1a8: {  	[smem:s15], [sflag:$0x0] =	smem.add.s32 @!p1 $0x15A;
	s15 =	simm.s32 @!p1 $0x0  }
0x1a9: {  	s16 =	simm.s32 @!p1 $0x1;
	_ =	swait.done @!p1 [sflag:s15]  }
0x1aa: {  	s18 =	sadd.s32 s11, s8;
	[smem:$0x7FF] =	sst @!p1 s16  }
.Ltmp3:
0x1ab: {  	s23 =	sshrl.u32 s18, $0x3;
	_ =	sint @!p1 $0x2;
	(pc) =	sbr.rel .LBB2_2-.Ltmp3, $4  }
0x1ac: {  	s8 =	sshrl.u32 s8, $0x3;
	s24 =	sadd.s32 s7, s23;
	_ =	swait.notdone @!p1 [sflag:s15]  }
0x1ad: {  	[tilespmem:s26], [sflag:$0x6] =	stream.linear.gather [hbm4b:s24+s4], $0x2800, $0x38;
	[tilespmem:$0x15100] =	vst v63  }
0x1ae: {  	s14 =	sadd.s32 $0x1, s14;
	s8 =	sadd.s32 s1, s8  }
0x1af: {  	[tilespmem:s28], [sflag:$0x2] =	stream.linear.gather [hbm4b:s8+s4], $0x2800, $0x38;
	[tilespmem:$0x15100] =	vst v63  }
.LBB2_8:
0x1b0: {  	s8 =	simm.s32 $0x3  }
0x1b1: {  	_ =	swait.ge [sflag:s8], $0x2800  }
0x1b2: {  	[sflag:s8] =	ssyncset.done $0x0  }
0x1b3: {  	s23 =	simm.s32 $0x4;
	[sflag:s8] =	ssyncadd.s32 $0xFFFFD800  }
0x1b4: {  	_ =	swait.ge [sflag:s23], $0x2800  }
0x1b5: {  	[sflag:s23] =	ssyncset.done $0x0  }
0x1b6: {  	s11 =	rddreg [dreg:$0x8];
	[sflag:s23] =	ssyncadd.s32 $0xFFFFD800  }
0x1b7: {  	[tilespmem:s4], [sflag:$0x7] =	stream.linear.gather [hbm4b:s11+s4], $0x80, $0x38;
	[tilespmem:$0x15100] =	vst v63  }
0x1b8: {  	s12 =	simm.s32 $0x400;
	s24 =	sadd.s32 $0x80, s11  }
0x1b9: {  	[tilespmem:s12], [sflag:$0x7] =	stream.linear.gather [hbm4b:s24+s4], $0x80, $0x38;
	[tilespmem:$0x15100] =	vst v63  }
0x1ba: {  	s15 =	simm.s32 $0x800;
	s14 =	sadd.s32 $0x100, s11  }
0x1bb: {  	[tilespmem:s15], [sflag:$0x7] =	stream.linear.gather [hbm4b:s14+s4], $0x80, $0x38;
	[tilespmem:$0x15100] =	vst v63  }
0x1bc: {  	s18 =	simm.s32 $0xC00;
	s16 =	sadd.s32 $0x180, s11  }
0x1bd: {  	[tilespmem:s18], [sflag:$0x7] =	stream.linear.gather [hbm4b:s16+s4], $0x80, $0x38;
	[tilespmem:$0x15100] =	vst v63  }
0x1be: {  	s20 =	simm.s32 $0x1000;
	s19 =	sadd.s32 $0x200, s11  }
0x1bf: {  	[tilespmem:s20], [sflag:$0x7] =	stream.linear.gather [hbm4b:s19+s4], $0x80, $0x38;
	[tilespmem:$0x15100] =	vst v63  }
0x1c0: {  	s22 =	simm.s32 $0x1400;
	s21 =	sadd.s32 $0x280, s11  }
0x1c1: {  	[tilespmem:s22], [sflag:$0x7] =	stream.linear.gather [hbm4b:s21+s4], $0x80, $0x38;
	[tilespmem:$0x15100] =	vst v63  }
0x1c2: {  	s23 =	sadd.s32 $0x300, s11;
	s24 =	simm.s32 $0x1800  }
0x1c3: {  	[tilespmem:s24], [sflag:$0x7] =	stream.linear.gather [hbm4b:s23+s4], $0x80, $0x38;
	[tilespmem:$0x15100] =	vst v63  }
0x1c4: {  	s14 =	sadd.s32 $0x380, s11;
	s15 =	simm.s32 $0x1C00  }
0x1c5: {  	[tilespmem:s15], [sflag:$0x7] =	stream.linear.gather [hbm4b:s14+s4], $0x80, $0x38;
	[tilespmem:$0x15100] =	vst v63  }
0x1c6: {  	s16 =	sadd.s32 $0x400, s11;
	s18 =	simm.s32 $0x2000  }
0x1c7: {  	[tilespmem:s18], [sflag:$0x7] =	stream.linear.gather [hbm4b:s16+s4], $0x80, $0x38;
	[tilespmem:$0x15100] =	vst v63  }
0x1c8: {  	s19 =	sadd.s32 $0x480, s11;
	s20 =	simm.s32 $0x2400;
	s18 =	simm.s32 $0x7  }
0x1c9: {  	[tilespmem:s20], [sflag:$0x7] =	stream.linear.gather [hbm4b:s19+s4], $0x80, $0x38;
	[tilespmem:$0x15100] =	vst v63  }
0x1ca: {  	_ =	swait.ge [sflag:s18], $0x500  }
0x1cb: {  	s8 =	sld [smem:$0x7FF];
	_ =	sdelay $0x2  }
0x1cc: {  	p1 =	sne.s32 @!p0 s8, $0x1  }
0x1cd: {  	[sflag:s18] =	ssyncset.done $0x0;
	p0 =	por !p1, p0  }
0x1ce: {  	[sflag:s18] =	ssyncadd.s32 $0xFFFFFB00;
	s8 =	sor.u32 @!p0 $0x100000, s13  }
0x1cf: {  	[smem:s8], [sflag:$0x0] =	smem.add.s32 @!p0 $0x167;
	s8 =	simm.s32 @!p0 $0x0  }
0x1d0: {  	_ =	swait.done @!p0 [sflag:s8]  }
0x1d1: {  	s21 =	rddreg [dreg:$0xd]  }
0x1d2: {  	s11 =	simm.s32 @!p0 $0x1;
	s14 =	rddreg [dreg:$0xe]  }
0x1d3: {  	[smem:$0x7FF] =	sst @!p0 s11;
	s12 =	sadd.s32 s14, s21  }
0x1d4: {  	_ =	sint @!p0 $0x2;
	s22 =	sadd.s32 $0x140000, s12  }
0x1d5: {  	_ =	swait.notdone @!p0 [sflag:s8];
	s23 =	sshrl.u32 s22, $0x3  }
0x1d6: {  	s12 =	simm.s32 $0x0;
	s8 =	simm.s32 $0x2800;
	s11 =	sadd.s32 s7, s23  }
0x1d7: {  	[tilespmem:s8], [sflag:$0x7] =	stream.linear.gather [hbm4b:s11+s12], $0x500, $0x38;
	[tilespmem:$0x15100] =	vst v63  }
0x1d8: {  	_ =	swait.ge [sflag:s18], $0x500  }
0x1d9: {  	[sflag:s18] =	ssyncset.done $0x0  }
0x1da: {  	s19 =	simm.s32 $0x5000;
	s14 =	rddreg [dreg:$0x9];
	[sflag:s18] =	ssyncadd.s32 $0xFFFFFB00  }
0x1db: {  	[tilespmem:s19], [sflag:$0x7] =	stream.linear.gather [hbm4b:s14+s12], $0x80, $0x38;
	[tilespmem:$0x15100] =	vst v63  }
0x1dc: {  	s15 =	simm.s32 $0x5400;
	s24 =	sadd.s32 $0x80, s14  }
0x1dd: {  	[tilespmem:s15], [sflag:$0x7] =	stream.linear.gather [hbm4b:s24+s12], $0x80, $0x38;
	[tilespmem:$0x15100] =	vst v63  }
0x1de: {  	s20 =	simm.s32 $0x5800;
	s16 =	sadd.s32 $0x100, s14  }
0x1df: {  	[tilespmem:s20], [sflag:$0x7] =	stream.linear.gather [hbm4b:s16+s12], $0x80, $0x38;
	[tilespmem:$0x15100] =	vst v63  }
0x1e0: {  	s22 =	simm.s32 $0x5C00;
	s21 =	sadd.s32 $0x180, s14  }
0x1e1: {  	[tilespmem:s22], [sflag:$0x7] =	stream.linear.gather [hbm4b:s21+s12], $0x80, $0x38;
	[tilespmem:$0x15100] =	vst v63  }
0x1e2: {  	s23 =	sadd.s32 $0x200, s14;
	s24 =	simm.s32 $0x6000  }
0x1e3: {  	[tilespmem:s24], [sflag:$0x7] =	stream.linear.gather [hbm4b:s23+s12], $0x80, $0x38;
	[tilespmem:$0x15100] =	vst v63  }
0x1e4: {  	s16 =	sadd.s32 $0x280, s14;
	s20 =	simm.s32 $0x6400  }
0x1e5: {  	[tilespmem:s20], [sflag:$0x7] =	stream.linear.gather [hbm4b:s16+s12], $0x80, $0x38;
	[tilespmem:$0x15100] =	vst v63  }
0x1e6: {  	s21 =	sadd.s32 $0x300, s14;
	s22 =	simm.s32 $0x6800  }
0x1e7: {  	[tilespmem:s22], [sflag:$0x7] =	stream.linear.gather [hbm4b:s21+s12], $0x80, $0x38;
	[tilespmem:$0x15100] =	vst v63  }
0x1e8: {  	s23 =	sadd.s32 $0x380, s14;
	s24 =	simm.s32 $0x6C00  }
0x1e9: {  	[tilespmem:s24], [sflag:$0x7] =	stream.linear.gather [hbm4b:s23+s12], $0x80, $0x38;
	[tilespmem:$0x15100] =	vst v63  }
0x1ea: {  	s16 =	sadd.s32 $0x400, s14;
	s20 =	simm.s32 $0x7000  }
0x1eb: {  	[tilespmem:s20], [sflag:$0x7] =	stream.linear.gather [hbm4b:s16+s12], $0x80, $0x38;
	[tilespmem:$0x15100] =	vst v63  }
0x1ec: {  	s21 =	sadd.s32 $0x480, s14;
	s22 =	simm.s32 $0x7400  }
0x1ed: {  	[tilespmem:s22], [sflag:$0x7] =	stream.linear.gather [hbm4b:s21+s12], $0x80, $0x38;
	[tilespmem:$0x15100] =	vst v63  }
0x1ee: {  	_ =	swait.ge [sflag:s18], $0x500  }
0x1ef: {  	s23 =	sand.u32 $0x70, s12;
	s12 =	sand.u32 $0x3C00, s12;
	[sflag:s18] =	ssyncset.done $0x0  }
0x1f0: {  	s11 =	sor.u32 s23, s12;
	[sflag:s18] =	ssyncadd.s32 $0xFFFFFB00  }
0x1f1: {  	v2 =	vld [tilespmem:s11+$0x5000]  }
0x1f2: {  	v3 =	vld [tilespmem:s11+$0x0]  }
0x1f3: {  	v4 =	vld [tilespmem:s8+$0x0];
	_ =	sdelay $0x2  }
0x1f4: {  	v2 =	vmul.f32 v2, v1;
	_ =	sdelay $0x1  }
0x1f5: {  	s24 =	simm.s32 $0x10;
	s12 =	simm.s32 $0x80;
	v2 =	vadd.f32 v2, v3;
	v3 =	vmul.f32 v4, v0  }
0x1f6: {  	s14 =	simm.s32 $0x20;
	s15 =	sand.u32 $0x70, s24;
	s16 =	sand.u32 $0x3C00, s12  }
.LBB2_9:
0x1f7: {  	p0 =	sne.s32 s14, $0x4F0;
	s15 =	sor.u32 s15, s16;
	v2 =	vadd.f32 v3, v2  }
0x1f8: {  	v3 =	vld [tilespmem:s15+$0x5000]  }
0x1f9: {  	s8 =	sadd.s32 $0x10, s8;
	v4 =	vld [tilespmem:s15+$0x0];
	[tilespmem:s11+$0x7800] =	vst v2;
	s11 =	smov.u32 s15  }
0x1fa: {  	v5 =	vld [tilespmem:s8+$0x0];
	_ =	sdelay $0x1  }
.Ltmp4:
0x1fb: {  	(pc) =	sbr.rel @p0 .LBB2_9-.Ltmp4, $3  }
0x1fc: {  	v2 =	vmul.f32 v3, v1;
	_ =	sdelay $0x1  }
0x1fd: {  	s12 =	sadd.s32 $0x80, s12;
	v2 =	vadd.f32 v2, v4;
	v3 =	vmul.f32 v5, v0  }
0x1fe: {  	s16 =	sand.u32 $0x3C00, s12;
	s15 =	sand.u32 $0x70, s14;
	s14 =	sadd.s32 $0x10, s14  }
0x1ff: {  	s12 =	sor.u32 s15, s16;
	v2 =	vadd.f32 v3, v2  }
0x200: {  	v63 =	vld [tilespmem:s12+$0x5000]  }
0x201: {  	s8 =	sadd.s32 $0x10, s8;
	v4 =	vld [tilespmem:s12+$0x0];
	[tilespmem:s11+$0x7800] =	vst v2  }
0x202: {  	v2 =	vld [tilespmem:s8+$0x0];
	_ =	sdelay $0x2  }
0x203: {  	v1 =	vmul.f32 v63, v1;
	_ =	sdelay $0x1  }
0x204: {  	v1 =	vadd.f32 v1, v4;
	v0 =	vmul.f32 v2, v0;
	_ =	sdelay $0x1  }
0x205: {  	v0 =	vadd.f32 v0, v1;
	_ =	sdelay $0x1  }
0x206: {  	[tilespmem:s12+$0x7800] =	vst v0  }
0x207: {  	[hbm4b:s17+s4] =	stream.linear.scatter [tilespmem:s31], [sflag:$0x7], $0x80, $0x38;
	[tilespmem:$0x15100] =	vst v63  }
0x208: {  	s11 =	sadd.s32 $0x80, s17;
	s12 =	simm.s32 $0x7C00  }
0x209: {  	[hbm4b:s11+s4] =	stream.linear.scatter [tilespmem:s12], [sflag:$0x7], $0x80, $0x38;
	[tilespmem:$0x15100] =	vst v63  }
0x20a: {  	s14 =	sadd.s32 $0x100, s17;
	s15 =	simm.s32 $0x8000  }
0x20b: {  	[hbm4b:s14+s4] =	stream.linear.scatter [tilespmem:s15], [sflag:$0x7], $0x80, $0x38;
	[tilespmem:$0x15100] =	vst v63  }
0x20c: {  	s16 =	sadd.s32 $0x180, s17;
	s20 =	simm.s32 $0x8400  }
0x20d: {  	[hbm4b:s16+s4] =	stream.linear.scatter [tilespmem:s20], [sflag:$0x7], $0x80, $0x38;
	[tilespmem:$0x15100] =	vst v63  }
0x20e: {  	s21 =	sadd.s32 $0x200, s17;
	s22 =	simm.s32 $0x8800  }
0x20f: {  	[hbm4b:s21+s4] =	stream.linear.scatter [tilespmem:s22], [sflag:$0x7], $0x80, $0x38;
	[tilespmem:$0x15100] =	vst v63  }
0x210: {  	s23 =	sadd.s32 $0x280, s17;
	s24 =	simm.s32 $0x8C00  }
0x211: {  	[hbm4b:s23+s4] =	stream.linear.scatter [tilespmem:s24], [sflag:$0x7], $0x80, $0x38;
	[tilespmem:$0x15100] =	vst v63  }
0x212: {  	s11 =	sadd.s32 $0x300, s17;
	s12 =	simm.s32 $0x9000  }
0x213: {  	[hbm4b:s11+s4] =	stream.linear.scatter [tilespmem:s12], [sflag:$0x7], $0x80, $0x38;
	[tilespmem:$0x15100] =	vst v63  }
0x214: {  	s14 =	sadd.s32 $0x380, s17;
	s15 =	simm.s32 $0x9400  }
0x215: {  	[hbm4b:s14+s4] =	stream.linear.scatter [tilespmem:s15], [sflag:$0x7], $0x80, $0x38;
	[tilespmem:$0x15100] =	vst v63  }
0x216: {  	s16 =	sadd.s32 $0x400, s17;
	s20 =	simm.s32 $0x9800  }
0x217: {  	[hbm4b:s16+s4] =	stream.linear.scatter [tilespmem:s20], [sflag:$0x7], $0x80, $0x38;
	[tilespmem:$0x15100] =	vst v63  }
0x218: {  	s21 =	sadd.s32 $0x480, s17;
	s22 =	simm.s32 $0x9C00  }
0x219: {  	[hbm4b:s21+s4] =	stream.linear.scatter [tilespmem:s22], [sflag:$0x7], $0x80, $0x38;
	[tilespmem:$0x15100] =	vst v63  }
0x21a: {  	_ =	swait.ge [sflag:s18], $0x500  }
0x21b: {  	s23 =	rddreg [dreg:$0xc]  }
0x21c: {  	s24 =	rddreg [dreg:$0xa];
	s11 =	sadd.s32 $0x1, s23  }
0x21d: {  	p0 =	sne.s32 s11, s24  }
.Ltmp5:
0x21e: {  	_ = 	snop;
	(pc) =	sbr.rel @p0 .LBB2_1-.Ltmp5, $3  }
0x21f: {  	_ =	sdelay $0x1  }
0x220: {  	[sflag:s18] =	ssyncset.done $0x0  }
0x221: {  	[sflag:s18] =	ssyncadd.s32 $0xFFFFFB00  }
0x222: {  	_ =	sfence.sel $0x180000  }
0x223: {  	[bflag:$0x0] =	sbarrier.arrive $0xFFFF  }
0x224: {  	_ =	strace $0x90000047  }
0x225: {  	s0 =	stileid.u32;
	[bflag:$0x2] =	sbarrier.arrive $0xFFFF  }
0x226: {  	p0 =	sne.s32 s0, $0x0;
	s0 =	rddreg [dreg:$0x3]  }
0x227: {  	s0 =	sadd.s32 @!p0 $0x100000, s0  }
0x228: {  	[sflag:s0] =	ssyncadd.tile.s32 @!p0 $0x1;
	_ =	shalt  }
.Lfunc_end2:
_tile_overlayer_lowered:
.L_overlay_start_2:
0x229: {  	(tag) =	ssettag $0x2  }
0x22a: {  	s0 =	rddreg [dreg:$0x0];
	s2 =	stileid.u32  }
0x22b: {  	s1 =	rddreg [dreg:$0x1];
	p0 =	sne.s32 s2, $0x0  }
0x22c: {  	s3 =	rddreg [dreg:$0x2];
	[bflag:$0x3] =	sbarrier.arrive $0xFFFF;
	s2 =	simm.s32 @!p0 $0x1C07  }
0x22d: {  	[timem:s3], [sflag:s2] =	dma.local @!p0 [hbm:s0], s1  }
0x22e: {  	s0 =	simm.s32 @!p0 $0x7  }
0x22f: {  	_ =	swait.ge @!p0 [sflag:s0], s1  }
0x230: {  	s1 =	ssub.s32 @!p0 $0x0, s1;
	[sflag:s0] =	ssyncset.done @!p0 $0x0  }
0x231: {  	[sflag:s0] =	ssyncadd.s32 @!p0 s1  }
0x232: {  	[bflag:$0x3] =	sbarrier.arrive $0xFFFF  }
0x233: {  	_ =	shalt  }

</sc_bundles>
